<compile_context>
chip_gen: v7x
topology: tpu7x:2x2x1
jax: 0.10.2.dev20260603
libtpu: 0.0.44.dev20260713+nightly
codegen_flags: <defaults>
</compile_context>

<pallas_src>
import jax
import jax.numpy as jnp
from jax import lax
from jax.experimental import pallas as pl
from jax.experimental.pallas import tpu as pltpu
from jax.experimental.pallas import tpu_sc as plsc

BATCH = 4096
MAXLEN = 200
EMBED_DIM = 64
PAD_DIM = 128

NUM_CORES = 2
NUM_SUBCORES = 16
NUM_WORKERS = NUM_CORES * NUM_SUBCORES

B_PER_W = BATCH // NUM_WORKERS
STREAM0 = 128
STREAM1 = MAXLEN - STREAM0


def _sc_body(x_hbm, tbl, pos_hbm, out_hbm, idx_v, rows_v, acc_v, pos_v,
             sem_g0, sem_g1, sem_o0, sem_o1):
    sem_g = (sem_g0, sem_g1)
    sem_o = (sem_o0, sem_o1)
    wid = lax.axis_index("s") * NUM_CORES + lax.axis_index("c")
    b_base = wid * B_PER_W

    pltpu.sync_copy(pos_hbm, pos_v)

    def fire_gather(j, hb):
        b = b_base + j
        pltpu.sync_copy(x_hbm.at[b], idx_v.at[hb])
        pltpu.async_copy(tbl.at[idx_v.at[hb, pl.ds(0, STREAM0)]],
                         rows_v.at[hb, pl.ds(0, STREAM0)], sem_g[hb])
        pltpu.async_copy(tbl.at[idx_v.at[hb, pl.ds(STREAM0, STREAM1)]],
                         rows_v.at[hb, pl.ds(STREAM0, STREAM1)], sem_g[hb])

    def wait_g(hb):
        pltpu.make_async_copy(tbl.at[pl.ds(0, MAXLEN)], rows_v.at[hb],
                              sem_g[hb]).wait()

    def start_out(j, hb):
        b = b_base + j
        pltpu.async_copy(acc_v.at[hb], out_hbm.at[b], sem_o[hb])

    def wait_o(hb):
        pltpu.make_async_copy(acc_v.at[hb], out_hbm.at[0], sem_o[hb]).wait()

    def accumulate(hb):
        def rbody(r, carry):
            for c in range(EMBED_DIM // 16):
                v = (rows_v[hb, r, pl.ds(c * 16, 16)]
                     + pos_v[r, pl.ds(c * 16, 16)])
                acc_v[hb, r, pl.ds(c * 16, 16)] = v
            return carry

        lax.fori_loop(0, MAXLEN, rbody, 0, unroll=8)

    for hb in range(2):
        fire_gather(hb, hb)

    def step(j2, carry):
        for hb in range(2):
            j = j2 * 2 + hb
            wait_g(hb)

            @pl.when(j >= 2)
            def _():
                wait_o(hb)

            accumulate(hb)
            start_out(j, hb)

            @pl.when(j + 2 < B_PER_W)
            def _():
                fire_gather(j + 2, hb)
        return carry

    lax.fori_loop(0, B_PER_W // 2, step, 0)
    for hb in range(2):
        wait_o(hb)


@jax.jit
def kernel(x, token_table, pos_table):
    tbl_pad = jnp.pad(token_table, ((0, 0), (0, PAD_DIM - EMBED_DIM)))

    mesh = plsc.VectorSubcoreMesh(
        core_axis_name="c", subcore_axis_name="s",
        num_cores=NUM_CORES, num_subcores=NUM_SUBCORES)
    run = pl.kernel(
        _sc_body,
        out_type=jax.ShapeDtypeStruct((BATCH, MAXLEN, EMBED_DIM),
                                      jnp.float32),
        mesh=mesh,
        scratch_types=[
            pltpu.VMEM((2, MAXLEN), jnp.int32),
            pltpu.VMEM((2, MAXLEN, PAD_DIM), jnp.float32),
            pltpu.VMEM((2, MAXLEN, EMBED_DIM), jnp.float32),
            pltpu.VMEM((MAXLEN, EMBED_DIM), jnp.float32),
            pltpu.SemaphoreType.DMA,
            pltpu.SemaphoreType.DMA,
            pltpu.SemaphoreType.DMA,
            pltpu.SemaphoreType.DMA,
        ],
        compiler_params=pltpu.CompilerParams(use_tc_tiling_on_sc=True),
    )
    return run(x.astype(jnp.int32), tbl_pad, pos_table)

# --- scband reference (transcript-rebuilt; emitter-appended) ---
"""Pipeline reference for scband-token-and-position-embedding-10196252360808 (READ-ONLY COPY).

The authoritative reference and input builder live on the scoring server;
editing this copy changes nothing except your own understanding.
"""

import jax, jax.numpy as jnp
import numpy as np

MAXLEN = 200
VOCAB_SIZE = 1000000
EMBED_DIM = 64
BATCH = 4096

def setup_inputs(seed: int = 0) -> dict:
    key = jax.random.key(seed)
    k1, k2, k3 = jax.random.split(key, 3)
    x = jax.random.randint(k1, (BATCH, MAXLEN), 0, VOCAB_SIZE, dtype=jnp.int64 if jax.config.jax_enable_x64 else jnp.int32)
    token_table = jax.random.normal(k2, (VOCAB_SIZE, EMBED_DIM), dtype=jnp.float32) * 0.02
    pos_table = jax.random.normal(k3, (MAXLEN, EMBED_DIM), dtype=jnp.float32) * 0.02
    return {"x": x, "token_table": token_table, "pos_table": pos_table}

def reference(x, token_table, pos_table):
    maxlen = x.shape[-1]
    positions = jnp.arange(maxlen)
    positions_emb = jnp.take(pos_table, positions, axis=0)  # [maxlen, d]
    words_emb = jnp.take(token_table, x, axis=0)            # [B, maxlen, d]
    return positions_emb + words_emb

if __name__ == "__main__":
    import jax
    _d = setup_inputs()
    print(jax.jit(kernel)(*tuple(_d.values())))

</pallas_src>

<mosaic_0001>
#map = affine_map<(d0, d1) -> (0, 0)>
#map1 = affine_map<(d0, d1) -> (0, 0, 0)>
module attributes {stable_mosaic.version = 14 : i64} {
  func.func @_sc_body(%arg0: i32, %arg1: i32, %arg2: memref<4096x200xi32, #tpu.memory_space<hbm>>, %arg3: memref<1000000x128xf32, #tpu.memory_space<hbm>>, %arg4: memref<200x64xf32, #tpu.memory_space<hbm>>, %arg5: memref<4096x200x64xf32, #tpu.memory_space<hbm>>, %arg6: memref<2x200xi32, #tpu.memory_space<vmem>>, %arg7: memref<2x200x128xf32, #tpu.memory_space<vmem>>, %arg8: memref<2x200x64xf32, #tpu.memory_space<vmem>>, %arg9: memref<200x64xf32, #tpu.memory_space<vmem>>, %arg10: memref<!tpu.dma_semaphore, #tpu.memory_space<semaphore_mem>>, %arg11: memref<!tpu.dma_semaphore, #tpu.memory_space<semaphore_mem>>, %arg12: memref<!tpu.dma_semaphore, #tpu.memory_space<semaphore_mem>>, %arg13: memref<!tpu.dma_semaphore, #tpu.memory_space<semaphore_mem>>) attributes {dimension_semantics = [#tpu.dimension_semantics<core_parallel>, #tpu.dimension_semantics<subcore_parallel>], iteration_bounds = array<i64: 2, 16>, scalar_prefetch = 0 : i64, scratch_operands = 8 : i64, tpu.core_type = #tpu.core_type<sc_vector_subcore>, window_params = [{transform_indices = #map}, {transform_indices = #map}, {transform_indices = #map}, {transform_indices = #map1}]} {
    %mul3A = arith.constant 2 : i32
    %mul3A_0 = arith.muli %arg1, %mul3A : i32
    %add3A = arith.addi %mul3A_0, %arg0 : i32
    %mul3A_1 = arith.constant 128 : i32
    %mul3A_2 = arith.muli %add3A, %mul3A_1 : i32
    "tpu.region"() ({
      %run_scoped3A_95 = tpu.sem_alloc : memref<!tpu.dma_semaphore, #tpu.memory_space<semaphore_mem>>
      tpu.enqueue_dma source(%arg4 : memref<200x64xf32, #tpu.memory_space<hbm>>) target(%arg9 : memref<200x64xf32, #tpu.memory_space<vmem>>) target_semaphore(%run_scoped3A_95 : memref<!tpu.dma_semaphore, #tpu.memory_space<semaphore_mem>>)
      tpu.wait_dma2 semaphore(%run_scoped3A_95 : memref<!tpu.dma_semaphore, #tpu.memory_space<semaphore_mem>>) src(%arg4 : memref<200x64xf32, #tpu.memory_space<hbm>>) dst(%arg9 : memref<200x64xf32, #tpu.memory_space<vmem>>)
      tpu.yield
    }) : () -> ()
    %add3A_3 = arith.constant 0 : i32
    %add3A_4 = arith.addi %mul3A_2, %add3A_3 : i32
    %run_scoped3A = arith.constant 0 : i32
    "tpu.region"() ({
      %run_scoped3A_95 = tpu.sem_alloc : memref<!tpu.dma_semaphore, #tpu.memory_space<semaphore_mem>>
      %dma_start3A_96 = arith.constant 0 : i32
      %dma_start3A_97 = tpu.memref_slice %arg6[%run_scoped3A, %dma_start3A_96] : memref<2x200xi32, #tpu.memory_space<vmem>> -> memref<1x200xi32, #tpu.memory_space<vmem>>
      %dma_start3A_98 = tpu.memref_squeeze %dma_start3A_97 : memref<1x200xi32, #tpu.memory_space<vmem>> -> memref<200xi32, #tpu.memory_space<vmem>>
      %dma_start3A_99 = arith.constant 0 : i32
      %dma_start3A_100 = tpu.memref_slice %arg2[%add3A_4, %dma_start3A_99] : memref<4096x200xi32, #tpu.memory_space<hbm>> -> memref<1x200xi32, #tpu.memory_space<hbm>>
      %dma_start3A_101 = tpu.memref_squeeze %dma_start3A_100 : memref<1x200xi32, #tpu.memory_space<hbm>> -> memref<200xi32, #tpu.memory_space<hbm>>
      %dma_start3A_102 = arith.constant 0 : i32
      %dma_start3A_103 = tpu.memref_slice %arg6[%run_scoped3A, %dma_start3A_102] : memref<2x200xi32, #tpu.memory_space<vmem>> -> memref<1x200xi32, #tpu.memory_space<vmem>>
      %dma_start3A_104 = tpu.memref_squeeze %dma_start3A_103 : memref<1x200xi32, #tpu.memory_space<vmem>> -> memref<200xi32, #tpu.memory_space<vmem>>
      %dma_start3A_105 = arith.constant 0 : i32
      %dma_start3A_106 = tpu.memref_slice %arg2[%add3A_4, %dma_start3A_105] : memref<4096x200xi32, #tpu.memory_space<hbm>> -> memref<1x200xi32, #tpu.memory_space<hbm>>
      %dma_start3A_107 = tpu.memref_squeeze %dma_start3A_106 : memref<1x200xi32, #tpu.memory_space<hbm>> -> memref<200xi32, #tpu.memory_space<hbm>>
      tpu.enqueue_dma source(%dma_start3A_107 : memref<200xi32, #tpu.memory_space<hbm>>) target(%dma_start3A_104 : memref<200xi32, #tpu.memory_space<vmem>>) target_semaphore(%run_scoped3A_95 : memref<!tpu.dma_semaphore, #tpu.memory_space<semaphore_mem>>)
      %dma_wait3A_108 = arith.constant 0 : i32
      %dma_wait3A_109 = tpu.memref_slice %arg6[%run_scoped3A, %dma_wait3A_108] : memref<2x200xi32, #tpu.memory_space<vmem>> -> memref<1x200xi32, #tpu.memory_space<vmem>>
      %dma_wait3A_110 = tpu.memref_squeeze %dma_wait3A_109 : memref<1x200xi32, #tpu.memory_space<vmem>> -> memref<200xi32, #tpu.memory_space<vmem>>
      %dma_wait3A_111 = arith.constant 0 : i32
      %dma_wait3A_112 = tpu.memref_slice %arg2[%add3A_4, %dma_wait3A_111] : memref<4096x200xi32, #tpu.memory_space<hbm>> -> memref<1x200xi32, #tpu.memory_space<hbm>>
      %dma_wait3A_113 = tpu.memref_squeeze %dma_wait3A_112 : memref<1x200xi32, #tpu.memory_space<hbm>> -> memref<200xi32, #tpu.memory_space<hbm>>
      %dma_wait3A_114 = arith.constant 0 : i32
      %dma_wait3A_115 = tpu.memref_slice %arg6[%run_scoped3A, %dma_wait3A_114] : memref<2x200xi32, #tpu.memory_space<vmem>> -> memref<1x200xi32, #tpu.memory_space<vmem>>
      %dma_wait3A_116 = tpu.memref_squeeze %dma_wait3A_115 : memref<1x200xi32, #tpu.memory_space<vmem>> -> memref<200xi32, #tpu.memory_space<vmem>>
      %dma_wait3A_117 = arith.constant 0 : i32
      %dma_wait3A_118 = tpu.memref_slice %arg2[%add3A_4, %dma_wait3A_117] : memref<4096x200xi32, #tpu.memory_space<hbm>> -> memref<1x200xi32, #tpu.memory_space<hbm>>
      %dma_wait3A_119 = tpu.memref_squeeze %dma_wait3A_118 : memref<1x200xi32, #tpu.memory_space<hbm>> -> memref<200xi32, #tpu.memory_space<hbm>>
      tpu.wait_dma2 semaphore(%run_scoped3A_95 : memref<!tpu.dma_semaphore, #tpu.memory_space<semaphore_mem>>) src(%dma_wait3A_119 : memref<200xi32, #tpu.memory_space<hbm>>) dst(%dma_wait3A_116 : memref<200xi32, #tpu.memory_space<vmem>>)
      tpu.yield
    }) : () -> ()
    %dma_start3A = arith.constant 0 : i32
    %dma_start3A_5 = arith.constant 0 : i32
    %dma_start3A_6 = arith.constant 0 : i32
    %dma_start3A_7 = arith.constant 0 : i32
    %dma_start3A_8 = tpu.memref_slice %arg7[%dma_start3A_5, %dma_start3A_6, %dma_start3A_7] : memref<2x200x128xf32, #tpu.memory_space<vmem>> -> memref<1x128x128xf32, #tpu.memory_space<vmem>>
    %dma_start3A_9 = tpu.memref_squeeze %dma_start3A_8 : memref<1x128x128xf32, #tpu.memory_space<vmem>> -> memref<128x128xf32, #tpu.memory_space<vmem>>
    %dma_start3A_10 = arith.constant 0 : i32
    %dma_start3A_11 = tpu.memref_slice %arg6[%dma_start3A, %dma_start3A_10] : memref<2x200xi32, #tpu.memory_space<vmem>> -> memref<1x128xi32, #tpu.memory_space<vmem>>
    %dma_start3A_12 = tpu.memref_squeeze %dma_start3A_11 : memref<1x128xi32, #tpu.memory_space<vmem>> -> memref<128xi32, #tpu.memory_space<vmem>>
    %dma_start3A_13 = arith.constant 0 : i32
    %dma_start3A_14 = arith.constant 0 : i32
    %dma_start3A_15 = tpu.memref_slice %arg3[%dma_start3A_13, %dma_start3A_14] : memref<1000000x128xf32, #tpu.memory_space<hbm>> -> memref<1000000x128xf32, #tpu.memory_space<hbm>>
    tpu.enqueue_indirect_dma source(%dma_start3A_15 : memref<1000000x128xf32, #tpu.memory_space<hbm>>) target(%dma_start3A_9 : memref<128x128xf32, #tpu.memory_space<vmem>>) offsets(%dma_start3A_12 : memref<128xi32, #tpu.memory_space<vmem>>) semaphore(%arg10 : memref<!tpu.dma_semaphore, #tpu.memory_space<semaphore_mem>>)
    %dma_start3A_16 = arith.constant 0 : i32
    %dma_start3A_17 = arith.constant 0 : i32
    %dma_start3A_18 = arith.constant 128 : i32
    %dma_start3A_19 = arith.constant 0 : i32
    %dma_start3A_20 = tpu.memref_slice %arg7[%dma_start3A_17, %dma_start3A_18, %dma_start3A_19] : memref<2x200x128xf32, #tpu.memory_space<vmem>> -> memref<1x72x128xf32, #tpu.memory_space<vmem>>
    %dma_start3A_21 = tpu.memref_squeeze %dma_start3A_20 : memref<1x72x128xf32, #tpu.memory_space<vmem>> -> memref<72x128xf32, #tpu.memory_space<vmem>>
    %dma_start3A_22 = arith.constant 128 : i32
    %dma_start3A_23 = tpu.memref_slice %arg6[%dma_start3A_16, %dma_start3A_22] : memref<2x200xi32, #tpu.memory_space<vmem>> -> memref<1x72xi32, #tpu.memory_space<vmem>>
    %dma_start3A_24 = tpu.memref_squeeze %dma_start3A_23 : memref<1x72xi32, #tpu.memory_space<vmem>> -> memref<72xi32, #tpu.memory_space<vmem>>
    %dma_start3A_25 = arith.constant 0 : i32
    %dma_start3A_26 = arith.constant 0 : i32
    %dma_start3A_27 = tpu.memref_slice %arg3[%dma_start3A_25, %dma_start3A_26] : memref<1000000x128xf32, #tpu.memory_space<hbm>> -> memref<1000000x128xf32, #tpu.memory_space<hbm>>
    tpu.enqueue_indirect_dma source(%dma_start3A_27 : memref<1000000x128xf32, #tpu.memory_space<hbm>>) target(%dma_start3A_21 : memref<72x128xf32, #tpu.memory_space<vmem>>) offsets(%dma_start3A_24 : memref<72xi32, #tpu.memory_space<vmem>>) semaphore(%arg10 : memref<!tpu.dma_semaphore, #tpu.memory_space<semaphore_mem>>)
    %add3A_28 = arith.constant 1 : i32
    %add3A_29 = arith.addi %mul3A_2, %add3A_28 : i32
    %run_scoped3A_30 = arith.constant 1 : i32
    "tpu.region"() ({
      %run_scoped3A_95 = tpu.sem_alloc : memref<!tpu.dma_semaphore, #tpu.memory_space<semaphore_mem>>
      %dma_start3A_96 = arith.constant 0 : i32
      %dma_start3A_97 = tpu.memref_slice %arg6[%run_scoped3A_30, %dma_start3A_96] : memref<2x200xi32, #tpu.memory_space<vmem>> -> memref<1x200xi32, #tpu.memory_space<vmem>>
      %dma_start3A_98 = tpu.memref_squeeze %dma_start3A_97 : memref<1x200xi32, #tpu.memory_space<vmem>> -> memref<200xi32, #tpu.memory_space<vmem>>
      %dma_start3A_99 = arith.constant 0 : i32
      %dma_start3A_100 = tpu.memref_slice %arg2[%add3A_29, %dma_start3A_99] : memref<4096x200xi32, #tpu.memory_space<hbm>> -> memref<1x200xi32, #tpu.memory_space<hbm>>
      %dma_start3A_101 = tpu.memref_squeeze %dma_start3A_100 : memref<1x200xi32, #tpu.memory_space<hbm>> -> memref<200xi32, #tpu.memory_space<hbm>>
      %dma_start3A_102 = arith.constant 0 : i32
      %dma_start3A_103 = tpu.memref_slice %arg6[%run_scoped3A_30, %dma_start3A_102] : memref<2x200xi32, #tpu.memory_space<vmem>> -> memref<1x200xi32, #tpu.memory_space<vmem>>
      %dma_start3A_104 = tpu.memref_squeeze %dma_start3A_103 : memref<1x200xi32, #tpu.memory_space<vmem>> -> memref<200xi32, #tpu.memory_space<vmem>>
      %dma_start3A_105 = arith.constant 0 : i32
      %dma_start3A_106 = tpu.memref_slice %arg2[%add3A_29, %dma_start3A_105] : memref<4096x200xi32, #tpu.memory_space<hbm>> -> memref<1x200xi32, #tpu.memory_space<hbm>>
      %dma_start3A_107 = tpu.memref_squeeze %dma_start3A_106 : memref<1x200xi32, #tpu.memory_space<hbm>> -> memref<200xi32, #tpu.memory_space<hbm>>
      tpu.enqueue_dma source(%dma_start3A_107 : memref<200xi32, #tpu.memory_space<hbm>>) target(%dma_start3A_104 : memref<200xi32, #tpu.memory_space<vmem>>) target_semaphore(%run_scoped3A_95 : memref<!tpu.dma_semaphore, #tpu.memory_space<semaphore_mem>>)
      %dma_wait3A_108 = arith.constant 0 : i32
      %dma_wait3A_109 = tpu.memref_slice %arg6[%run_scoped3A_30, %dma_wait3A_108] : memref<2x200xi32, #tpu.memory_space<vmem>> -> memref<1x200xi32, #tpu.memory_space<vmem>>
      %dma_wait3A_110 = tpu.memref_squeeze %dma_wait3A_109 : memref<1x200xi32, #tpu.memory_space<vmem>> -> memref<200xi32, #tpu.memory_space<vmem>>
      %dma_wait3A_111 = arith.constant 0 : i32
      %dma_wait3A_112 = tpu.memref_slice %arg2[%add3A_29, %dma_wait3A_111] : memref<4096x200xi32, #tpu.memory_space<hbm>> -> memref<1x200xi32, #tpu.memory_space<hbm>>
      %dma_wait3A_113 = tpu.memref_squeeze %dma_wait3A_112 : memref<1x200xi32, #tpu.memory_space<hbm>> -> memref<200xi32, #tpu.memory_space<hbm>>
      %dma_wait3A_114 = arith.constant 0 : i32
      %dma_wait3A_115 = tpu.memref_slice %arg6[%run_scoped3A_30, %dma_wait3A_114] : memref<2x200xi32, #tpu.memory_space<vmem>> -> memref<1x200xi32, #tpu.memory_space<vmem>>
      %dma_wait3A_116 = tpu.memref_squeeze %dma_wait3A_115 : memref<1x200xi32, #tpu.memory_space<vmem>> -> memref<200xi32, #tpu.memory_space<vmem>>
      %dma_wait3A_117 = arith.constant 0 : i32
      %dma_wait3A_118 = tpu.memref_slice %arg2[%add3A_29, %dma_wait3A_117] : memref<4096x200xi32, #tpu.memory_space<hbm>> -> memref<1x200xi32, #tpu.memory_space<hbm>>
      %dma_wait3A_119 = tpu.memref_squeeze %dma_wait3A_118 : memref<1x200xi32, #tpu.memory_space<hbm>> -> memref<200xi32, #tpu.memory_space<hbm>>
      tpu.wait_dma2 semaphore(%run_scoped3A_95 : memref<!tpu.dma_semaphore, #tpu.memory_space<semaphore_mem>>) src(%dma_wait3A_119 : memref<200xi32, #tpu.memory_space<hbm>>) dst(%dma_wait3A_116 : memref<200xi32, #tpu.memory_space<vmem>>)
      tpu.yield
    }) : () -> ()
    %dma_start3A_31 = arith.constant 1 : i32
    %dma_start3A_32 = arith.constant 1 : i32
    %dma_start3A_33 = arith.constant 0 : i32
    %dma_start3A_34 = arith.constant 0 : i32
    %dma_start3A_35 = tpu.memref_slice %arg7[%dma_start3A_32, %dma_start3A_33, %dma_start3A_34] : memref<2x200x128xf32, #tpu.memory_space<vmem>> -> memref<1x128x128xf32, #tpu.memory_space<vmem>>
    %dma_start3A_36 = tpu.memref_squeeze %dma_start3A_35 : memref<1x128x128xf32, #tpu.memory_space<vmem>> -> memref<128x128xf32, #tpu.memory_space<vmem>>
    %dma_start3A_37 = arith.constant 0 : i32
    %dma_start3A_38 = tpu.memref_slice %arg6[%dma_start3A_31, %dma_start3A_37] : memref<2x200xi32, #tpu.memory_space<vmem>> -> memref<1x128xi32, #tpu.memory_space<vmem>>
    %dma_start3A_39 = tpu.memref_squeeze %dma_start3A_38 : memref<1x128xi32, #tpu.memory_space<vmem>> -> memref<128xi32, #tpu.memory_space<vmem>>
    %dma_start3A_40 = arith.constant 0 : i32
    %dma_start3A_41 = arith.constant 0 : i32
    %dma_start3A_42 = tpu.memref_slice %arg3[%dma_start3A_40, %dma_start3A_41] : memref<1000000x128xf32, #tpu.memory_space<hbm>> -> memref<1000000x128xf32, #tpu.memory_space<hbm>>
    tpu.enqueue_indirect_dma source(%dma_start3A_42 : memref<1000000x128xf32, #tpu.memory_space<hbm>>) target(%dma_start3A_36 : memref<128x128xf32, #tpu.memory_space<vmem>>) offsets(%dma_start3A_39 : memref<128xi32, #tpu.memory_space<vmem>>) semaphore(%arg11 : memref<!tpu.dma_semaphore, #tpu.memory_space<semaphore_mem>>)
    %dma_start3A_43 = arith.constant 1 : i32
    %dma_start3A_44 = arith.constant 1 : i32
    %dma_start3A_45 = arith.constant 128 : i32
    %dma_start3A_46 = arith.constant 0 : i32
    %dma_start3A_47 = tpu.memref_slice %arg7[%dma_start3A_44, %dma_start3A_45, %dma_start3A_46] : memref<2x200x128xf32, #tpu.memory_space<vmem>> -> memref<1x72x128xf32, #tpu.memory_space<vmem>>
    %dma_start3A_48 = tpu.memref_squeeze %dma_start3A_47 : memref<1x72x128xf32, #tpu.memory_space<vmem>> -> memref<72x128xf32, #tpu.memory_space<vmem>>
    %dma_start3A_49 = arith.constant 128 : i32
    %dma_start3A_50 = tpu.memref_slice %arg6[%dma_start3A_43, %dma_start3A_49] : memref<2x200xi32, #tpu.memory_space<vmem>> -> memref<1x72xi32, #tpu.memory_space<vmem>>
    %dma_start3A_51 = tpu.memref_squeeze %dma_start3A_50 : memref<1x72xi32, #tpu.memory_space<vmem>> -> memref<72xi32, #tpu.memory_space<vmem>>
    %dma_start3A_52 = arith.constant 0 : i32
    %dma_start3A_53 = arith.constant 0 : i32
    %dma_start3A_54 = tpu.memref_slice %arg3[%dma_start3A_52, %dma_start3A_53] : memref<1000000x128xf32, #tpu.memory_space<hbm>> -> memref<1000000x128xf32, #tpu.memory_space<hbm>>
    tpu.enqueue_indirect_dma source(%dma_start3A_54 : memref<1000000x128xf32, #tpu.memory_space<hbm>>) target(%dma_start3A_48 : memref<72x128xf32, #tpu.memory_space<vmem>>) offsets(%dma_start3A_51 : memref<72xi32, #tpu.memory_space<vmem>>) semaphore(%arg11 : memref<!tpu.dma_semaphore, #tpu.memory_space<semaphore_mem>>)
    %scan3A = arith.constant 0 : i32
    %scan3A_55 = arith.constant 0 : i32
    %scan3A_56 = arith.constant 64 : i32
    %scan3A_57 = arith.addi %scan3A_55, %scan3A_56 : i32
    %scan3A_58 = arith.constant 1 : i32
    scf.for %scan3A_95 = %scan3A_55 to %scan3A_57 step %scan3A_58  : i32 {
      %mul3A_96 = arith.constant 2 : i32
      %mul3A_97 = arith.muli %scan3A_95, %mul3A_96 : i32
      %add3A_98 = arith.constant 0 : i32
      %add3A_99 = arith.addi %mul3A_97, %add3A_98 : i32
      %dma_wait3A_100 = arith.constant 0 : i32
      %dma_wait3A_101 = arith.constant 0 : i32
      %dma_wait3A_102 = arith.constant 0 : i32
      %dma_wait3A_103 = tpu.memref_slice %arg7[%dma_wait3A_100, %dma_wait3A_101, %dma_wait3A_102] : memref<2x200x128xf32, #tpu.memory_space<vmem>> -> memref<1x200x128xf32, #tpu.memory_space<vmem>>
      %dma_wait3A_104 = tpu.memref_squeeze %dma_wait3A_103 : memref<1x200x128xf32, #tpu.memory_space<vmem>> -> memref<200x128xf32, #tpu.memory_space<vmem>>
      %dma_wait3A_105 = arith.constant 0 : i32
      %dma_wait3A_106 = arith.constant 0 : i32
      %dma_wait3A_107 = tpu.memref_slice %arg3[%dma_wait3A_105, %dma_wait3A_106] : memref<1000000x128xf32, #tpu.memory_space<hbm>> -> memref<200x128xf32, #tpu.memory_space<hbm>>
      %dma_wait3A_108 = arith.constant 0 : i32
      %dma_wait3A_109 = arith.constant 0 : i32
      %dma_wait3A_110 = tpu.memref_slice %arg7[%dma_wait3A_100, %dma_wait3A_108, %dma_wait3A_109] : memref<2x200x128xf32, #tpu.memory_space<vmem>> -> memref<1x200x128xf32, #tpu.memory_space<vmem>>
      %dma_wait3A_111 = tpu.memref_squeeze %dma_wait3A_110 : memref<1x200x128xf32, #tpu.memory_space<vmem>> -> memref<200x128xf32, #tpu.memory_space<vmem>>
      %dma_wait3A_112 = arith.constant 0 : i32
      %dma_wait3A_113 = arith.constant 0 : i32
      %dma_wait3A_114 = tpu.memref_slice %arg3[%dma_wait3A_112, %dma_wait3A_113] : memref<1000000x128xf32, #tpu.memory_space<hbm>> -> memref<200x128xf32, #tpu.memory_space<hbm>>
      tpu.wait_dma2 semaphore(%arg10 : memref<!tpu.dma_semaphore, #tpu.memory_space<semaphore_mem>>) src(%dma_wait3A_114 : memref<200x128xf32, #tpu.memory_space<hbm>>) dst(%dma_wait3A_111 : memref<200x128xf32, #tpu.memory_space<vmem>>)
      %ge3A = arith.constant 2 : i32
      %ge3A_115 = arith.cmpi sge, %add3A_99, %ge3A : i32
      %convert_element_type3A = arith.extui %ge3A_115 : i1 to i32
      %cond3A = arith.constant 0 : i32
      %cond3A_116 = arith.cmpi ne, %convert_element_type3A, %cond3A : i32
      scf.if %cond3A_116 {
        %dma_wait3A_202 = arith.constant 0 : i32
        %dma_wait3A_203 = arith.constant 0 : i32
        %dma_wait3A_204 = arith.constant 0 : i32
        %dma_wait3A_205 = arith.constant 0 : i32
        %dma_wait3A_206 = tpu.memref_slice %arg8[%dma_wait3A_202, %dma_wait3A_204, %dma_wait3A_205] : memref<2x200x64xf32, #tpu.memory_space<vmem>> -> memref<1x200x64xf32, #tpu.memory_space<vmem>>
        %dma_wait3A_207 = tpu.memref_squeeze %dma_wait3A_206 : memref<1x200x64xf32, #tpu.memory_space<vmem>> -> memref<200x64xf32, #tpu.memory_space<vmem>>
        %dma_wait3A_208 = arith.constant 0 : i32
        %dma_wait3A_209 = arith.constant 0 : i32
        %dma_wait3A_210 = tpu.memref_slice %arg5[%dma_wait3A_203, %dma_wait3A_208, %dma_wait3A_209] : memref<4096x200x64xf32, #tpu.memory_space<hbm>> -> memref<1x200x64xf32, #tpu.memory_space<hbm>>
        %dma_wait3A_211 = tpu.memref_squeeze %dma_wait3A_210 : memref<1x200x64xf32, #tpu.memory_space<hbm>> -> memref<200x64xf32, #tpu.memory_space<hbm>>
        %dma_wait3A_212 = arith.constant 0 : i32
        %dma_wait3A_213 = arith.constant 0 : i32
        %dma_wait3A_214 = tpu.memref_slice %arg5[%dma_wait3A_203, %dma_wait3A_212, %dma_wait3A_213] : memref<4096x200x64xf32, #tpu.memory_space<hbm>> -> memref<1x200x64xf32, #tpu.memory_space<hbm>>
        %dma_wait3A_215 = tpu.memref_squeeze %dma_wait3A_214 : memref<1x200x64xf32, #tpu.memory_space<hbm>> -> memref<200x64xf32, #tpu.memory_space<hbm>>
        %dma_wait3A_216 = arith.constant 0 : i32
        %dma_wait3A_217 = arith.constant 0 : i32
        %dma_wait3A_218 = tpu.memref_slice %arg8[%dma_wait3A_202, %dma_wait3A_216, %dma_wait3A_217] : memref<2x200x64xf32, #tpu.memory_space<vmem>> -> memref<1x200x64xf32, #tpu.memory_space<vmem>>
        %dma_wait3A_219 = tpu.memref_squeeze %dma_wait3A_218 : memref<1x200x64xf32, #tpu.memory_space<vmem>> -> memref<200x64xf32, #tpu.memory_space<vmem>>
        tpu.wait_dma2 semaphore(%arg12 : memref<!tpu.dma_semaphore, #tpu.memory_space<semaphore_mem>>) src(%dma_wait3A_219 : memref<200x64xf32, #tpu.memory_space<vmem>>) dst(%dma_wait3A_215 : memref<200x64xf32, #tpu.memory_space<hbm>>)
      } else {
      }
      %scan3A_117 = arith.constant 0 : i32
      %scan3A_118 = arith.constant 0 : i32
      %scan3A_119 = arith.constant 200 : i32
      %scan3A_120 = arith.addi %scan3A_118, %scan3A_119 : i32
      %scan3A_121 = arith.constant 8 : i32
      scf.for %scan3A_202 = %scan3A_118 to %scan3A_120 step %scan3A_121  : i32 {
        %get3A = arith.constant 0 : i32
        %get3A_203 = arith.index_cast %get3A : i32 to index
        %get3A_204 = arith.index_cast %scan3A_202 : i32 to index
        %get3A_205 = arith.constant 0 : index
        %get3A_206 = tpu.vector_load %arg7[%get3A_203, %get3A_204, %get3A_205] {strides = array<i32>} : memref<2x200x128xf32, #tpu.memory_space<vmem>>, vector<1x1x16xf32>,
        %get3A_207 = vector.shape_cast %get3A_206 : vector<1x1x16xf32> to vector<16xf32>
        %get3A_208 = arith.index_cast %scan3A_202 : i32 to index
        %get3A_209 = arith.constant 0 : index
        %get3A_210 = tpu.vector_load %arg9[%get3A_208, %get3A_209] {strides = array<i32>} : memref<200x64xf32, #tpu.memory_space<vmem>>, vector<1x16xf32>,
        %get3A_211 = vector.shape_cast %get3A_210 : vector<1x16xf32> to vector<16xf32>
        %add3A_212 = arith.addf %get3A_207, %get3A_211 : vector<16xf32>
        %swap3A = arith.constant 0 : i32
        %swap3A_213 = arith.index_cast %swap3A : i32 to index
        %swap3A_214 = arith.index_cast %scan3A_202 : i32 to index
        %swap3A_215 = arith.constant 0 : index
        %swap3A_216 = tpu.vector_load %arg8[%swap3A_213, %swap3A_214, %swap3A_215] {strides = array<i32>} : memref<2x200x64xf32, #tpu.memory_space<vmem>>, vector<1x1x16xf32>,
        %swap3A_217 = vector.shape_cast %swap3A_216 : vector<1x1x16xf32> to vector<16xf32>
        %swap3A_218 = vector.shape_cast %add3A_212 : vector<16xf32> to vector<1x1x16xf32>
        tpu.vector_store %arg8[%swap3A_213, %swap3A_214, %swap3A_215], %swap3A_218 {strides = array<i32>} : memref<2x200x64xf32, #tpu.memory_space<vmem>>, vector<1x1x16xf32>,
        %get3A_219 = arith.constant 0 : i32
        %get3A_220 = arith.index_cast %get3A_219 : i32 to index
        %get3A_221 = arith.index_cast %scan3A_202 : i32 to index
        %get3A_222 = arith.constant 16 : index
        %get3A_223 = tpu.vector_load %arg7[%get3A_220, %get3A_221, %get3A_222] {strides = array<i32>} : memref<2x200x128xf32, #tpu.memory_space<vmem>>, vector<1x1x16xf32>,
        %get3A_224 = vector.shape_cast %get3A_223 : vector<1x1x16xf32> to vector<16xf32>
        %get3A_225 = arith.index_cast %scan3A_202 : i32 to index
        %get3A_226 = arith.constant 16 : index
        %get3A_227 = tpu.vector_load %arg9[%get3A_225, %get3A_226] {strides = array<i32>} : memref<200x64xf32, #tpu.memory_space<vmem>>, vector<1x16xf32>,
        %get3A_228 = vector.shape_cast %get3A_227 : vector<1x16xf32> to vector<16xf32>
        %add3A_229 = arith.addf %get3A_224, %get3A_228 : vector<16xf32>
        %swap3A_230 = arith.constant 0 : i32
        %swap3A_231 = arith.index_cast %swap3A_230 : i32 to index
        %swap3A_232 = arith.index_cast %scan3A_202 : i32 to index
        %swap3A_233 = arith.constant 16 : index
        %swap3A_234 = tpu.vector_load %arg8[%swap3A_231, %swap3A_232, %swap3A_233] {strides = array<i32>} : memref<2x200x64xf32, #tpu.memory_space<vmem>>, vector<1x1x16xf32>,
        %swap3A_235 = vector.shape_cast %swap3A_234 : vector<1x1x16xf32> to vector<16xf32>
        %swap3A_236 = vector.shape_cast %add3A_229 : vector<16xf32> to vector<1x1x16xf32>
        tpu.vector_store %arg8[%swap3A_231, %swap3A_232, %swap3A_233], %swap3A_236 {strides = array<i32>} : memref<2x200x64xf32, #tpu.memory_space<vmem>>, vector<1x1x16xf32>,
        %get3A_237 = arith.constant 0 : i32
        %get3A_238 = arith.index_cast %get3A_237 : i32 to index
        %get3A_239 = arith.index_cast %scan3A_202 : i32 to index
        %get3A_240 = arith.constant 32 : index
        %get3A_241 = tpu.vector_load %arg7[%get3A_238, %get3A_239, %get3A_240] {strides = array<i32>} : memref<2x200x128xf32, #tpu.memory_space<vmem>>, vector<1x1x16xf32>,
        %get3A_242 = vector.shape_cast %get3A_241 : vector<1x1x16xf32> to vector<16xf32>
        %get3A_243 = arith.index_cast %scan3A_202 : i32 to index
        %get3A_244 = arith.constant 32 : index
        %get3A_245 = tpu.vector_load %arg9[%get3A_243, %get3A_244] {strides = array<i32>} : memref<200x64xf32, #tpu.memory_space<vmem>>, vector<1x16xf32>,
        %get3A_246 = vector.shape_cast %get3A_245 : vector<1x16xf32> to vector<16xf32>
        %add3A_247 = arith.addf %get3A_242, %get3A_246 : vector<16xf32>
        %swap3A_248 = arith.constant 0 : i32
        %swap3A_249 = arith.index_cast %swap3A_248 : i32 to index
        %swap3A_250 = arith.index_cast %scan3A_202 : i32 to index
        %swap3A_251 = arith.constant 32 : index
        %swap3A_252 = tpu.vector_load %arg8[%swap3A_249, %swap3A_250, %swap3A_251] {strides = array<i32>} : memref<2x200x64xf32, #tpu.memory_space<vmem>>, vector<1x1x16xf32>,
        %swap3A_253 = vector.shape_cast %swap3A_252 : vector<1x1x16xf32> to vector<16xf32>
        %swap3A_254 = vector.shape_cast %add3A_247 : vector<16xf32> to vector<1x1x16xf32>
        tpu.vector_store %arg8[%swap3A_249, %swap3A_250, %swap3A_251], %swap3A_254 {strides = array<i32>} : memref<2x200x64xf32, #tpu.memory_space<vmem>>, vector<1x1x16xf32>,
        %get3A_255 = arith.constant 0 : i32
        %get3A_256 = arith.index_cast %get3A_255 : i32 to index
        %get3A_257 = arith.index_cast %scan3A_202 : i32 to index
        %get3A_258 = arith.constant 48 : index
        %get3A_259 = tpu.vector_load %arg7[%get3A_256, %get3A_257, %get3A_258] {strides = array<i32>} : memref<2x200x128xf32, #tpu.memory_space<vmem>>, vector<1x1x16xf32>,
        %get3A_260 = vector.shape_cast %get3A_259 : vector<1x1x16xf32> to vector<16xf32>
        %get3A_261 = arith.index_cast %scan3A_202 : i32 to index
        %get3A_262 = arith.constant 48 : index
        %get3A_263 = tpu.vector_load %arg9[%get3A_261, %get3A_262] {strides = array<i32>} : memref<200x64xf32, #tpu.memory_space<vmem>>, vector<1x16xf32>,
        %get3A_264 = vector.shape_cast %get3A_263 : vector<1x16xf32> to vector<16xf32>
        %add3A_265 = arith.addf %get3A_260, %get3A_264 : vector<16xf32>
        %swap3A_266 = arith.constant 0 : i32
        %swap3A_267 = arith.index_cast %swap3A_266 : i32 to index
        %swap3A_268 = arith.index_cast %scan3A_202 : i32 to index
        %swap3A_269 = arith.constant 48 : index
        %swap3A_270 = tpu.vector_load %arg8[%swap3A_267, %swap3A_268, %swap3A_269] {strides = array<i32>} : memref<2x200x64xf32, #tpu.memory_space<vmem>>, vector<1x1x16xf32>,
        %swap3A_271 = vector.shape_cast %swap3A_270 : vector<1x1x16xf32> to vector<16xf32>
        %swap3A_272 = vector.shape_cast %add3A_265 : vector<16xf32> to vector<1x1x16xf32>
        tpu.vector_store %arg8[%swap3A_267, %swap3A_268, %swap3A_269], %swap3A_272 {strides = array<i32>} : memref<2x200x64xf32, #tpu.memory_space<vmem>>, vector<1x1x16xf32>,
        %scan3A_273 = arith.constant 1 : i32
        %scan3A_274 = arith.addi %scan3A_202, %scan3A_273 : i32
        %get3A_275 = arith.constant 0 : i32
        %get3A_276 = arith.index_cast %get3A_275 : i32 to index
        %get3A_277 = arith.index_cast %scan3A_274 : i32 to index
        %get3A_278 = arith.constant 0 : index
        %get3A_279 = tpu.vector_load %arg7[%get3A_276, %get3A_277, %get3A_278] {strides = array<i32>} : memref<2x200x128xf32, #tpu.memory_space<vmem>>, vector<1x1x16xf32>,
        %get3A_280 = vector.shape_cast %get3A_279 : vector<1x1x16xf32> to vector<16xf32>
        %get3A_281 = arith.index_cast %scan3A_274 : i32 to index
        %get3A_282 = arith.constant 0 : index
        %get3A_283 = tpu.vector_load %arg9[%get3A_281, %get3A_282] {strides = array<i32>} : memref<200x64xf32, #tpu.memory_space<vmem>>, vector<1x16xf32>,
        %get3A_284 = vector.shape_cast %get3A_283 : vector<1x16xf32> to vector<16xf32>
        %add3A_285 = arith.addf %get3A_280, %get3A_284 : vector<16xf32>
        %swap3A_286 = arith.constant 0 : i32
        %swap3A_287 = arith.index_cast %swap3A_286 : i32 to index
        %swap3A_288 = arith.index_cast %scan3A_274 : i32 to index
        %swap3A_289 = arith.constant 0 : index
        %swap3A_290 = tpu.vector_load %arg8[%swap3A_287, %swap3A_288, %swap3A_289] {strides = array<i32>} : memref<2x200x64xf32, #tpu.memory_space<vmem>>, vector<1x1x16xf32>,
        %swap3A_291 = vector.shape_cast %swap3A_290 : vector<1x1x16xf32> to vector<16xf32>
        %swap3A_292 = vector.shape_cast %add3A_285 : vector<16xf32> to vector<1x1x16xf32>
        tpu.vector_store %arg8[%swap3A_287, %swap3A_288, %swap3A_289], %swap3A_292 {strides = array<i32>} : memref<2x200x64xf32, #tpu.memory_space<vmem>>, vector<1x1x16xf32>,
        %get3A_293 = arith.constant 0 : i32
        %get3A_294 = arith.index_cast %get3A_293 : i32 to index
        %get3A_295 = arith.index_cast %scan3A_274 : i32 to index
        %get3A_296 = arith.constant 16 : index
        %get3A_297 = tpu.vector_load %arg7[%get3A_294, %get3A_295, %get3A_296] {strides = array<i32>} : memref<2x200x128xf32, #tpu.memory_space<vmem>>, vector<1x1x16xf32>,
        %get3A_298 = vector.shape_cast %get3A_297 : vector<1x1x16xf32> to vector<16xf32>
        %get3A_299 = arith.index_cast %scan3A_274 : i32 to index
        %get3A_300 = arith.constant 16 : index
        %get3A_301 = tpu.vector_load %arg9[%get3A_299, %get3A_300] {strides = array<i32>} : memref<200x64xf32, #tpu.memory_space<vmem>>, vector<1x16xf32>,
        %get3A_302 = vector.shape_cast %get3A_301 : vector<1x16xf32> to vector<16xf32>
        %add3A_303 = arith.addf %get3A_298, %get3A_302 : vector<16xf32>
        %swap3A_304 = arith.constant 0 : i32
        %swap3A_305 = arith.index_cast %swap3A_304 : i32 to index
        %swap3A_306 = arith.index_cast %scan3A_274 : i32 to index
        %swap3A_307 = arith.constant 16 : index
        %swap3A_308 = tpu.vector_load %arg8[%swap3A_305, %swap3A_306, %swap3A_307] {strides = array<i32>} : memref<2x200x64xf32, #tpu.memory_space<vmem>>, vector<1x1x16xf32>,
        %swap3A_309 = vector.shape_cast %swap3A_308 : vector<1x1x16xf32> to vector<16xf32>
        %swap3A_310 = vector.shape_cast %add3A_303 : vector<16xf32> to vector<1x1x16xf32>
        tpu.vector_store %arg8[%swap3A_305, %swap3A_306, %swap3A_307], %swap3A_310 {strides = array<i32>} : memref<2x200x64xf32, #tpu.memory_space<vmem>>, vector<1x1x16xf32>,
        %get3A_311 = arith.constant 0 : i32
        %get3A_312 = arith.index_cast %get3A_311 : i32 to index
        %get3A_313 = arith.index_cast %scan3A_274 : i32 to index
        %get3A_314 = arith.constant 32 : index
        %get3A_315 = tpu.vector_load %arg7[%get3A_312, %get3A_313, %get3A_314] {strides = array<i32>} : memref<2x200x128xf32, #tpu.memory_space<vmem>>, vector<1x1x16xf32>,
        %get3A_316 = vector.shape_cast %get3A_315 : vector<1x1x16xf32> to vector<16xf32>
        %get3A_317 = arith.index_cast %scan3A_274 : i32 to index
        %get3A_318 = arith.constant 32 : index
        %get3A_319 = tpu.vector_load %arg9[%get3A_317, %get3A_318] {strides = array<i32>} : memref<200x64xf32, #tpu.memory_space<vmem>>, vector<1x16xf32>,
        %get3A_320 = vector.shape_cast %get3A_319 : vector<1x16xf32> to vector<16xf32>
        %add3A_321 = arith.addf %get3A_316, %get3A_320 : vector<16xf32>
        %swap3A_322 = arith.constant 0 : i32
        %swap3A_323 = arith.index_cast %swap3A_322 : i32 to index
        %swap3A_324 = arith.index_cast %scan3A_274 : i32 to index
        %swap3A_325 = arith.constant 32 : index
        %swap3A_326 = tpu.vector_load %arg8[%swap3A_323, %swap3A_324, %swap3A_325] {strides = array<i32>} : memref<2x200x64xf32, #tpu.memory_space<vmem>>, vector<1x1x16xf32>,
        %swap3A_327 = vector.shape_cast %swap3A_326 : vector<1x1x16xf32> to vector<16xf32>
        %swap3A_328 = vector.shape_cast %add3A_321 : vector<16xf32> to vector<1x1x16xf32>
        tpu.vector_store %arg8[%swap3A_323, %swap3A_324, %swap3A_325], %swap3A_328 {strides = array<i32>} : memref<2x200x64xf32, #tpu.memory_space<vmem>>, vector<1x1x16xf32>,
        %get3A_329 = arith.constant 0 : i32
        %get3A_330 = arith.index_cast %get3A_329 : i32 to index
        %get3A_331 = arith.index_cast %scan3A_274 : i32 to index
        %get3A_332 = arith.constant 48 : index
        %get3A_333 = tpu.vector_load %arg7[%get3A_330, %get3A_331, %get3A_332] {strides = array<i32>} : memref<2x200x128xf32, #tpu.memory_space<vmem>>, vector<1x1x16xf32>,
        %get3A_334 = vector.shape_cast %get3A_333 : vector<1x1x16xf32> to vector<16xf32>
        %get3A_335 = arith.index_cast %scan3A_274 : i32 to index
        %get3A_336 = arith.constant 48 : index
        %get3A_337 = tpu.vector_load %arg9[%get3A_335, %get3A_336] {strides = array<i32>} : memref<200x64xf32, #tpu.memory_space<vmem>>, vector<1x16xf32>,
        %get3A_338 = vector.shape_cast %get3A_337 : vector<1x16xf32> to vector<16xf32>
        %add3A_339 = arith.addf %get3A_334, %get3A_338 : vector<16xf32>
        %swap3A_340 = arith.constant 0 : i32
        %swap3A_341 = arith.index_cast %swap3A_340 : i32 to index
        %swap3A_342 = arith.index_cast %scan3A_274 : i32 to index
        %swap3A_343 = arith.constant 48 : index
        %swap3A_344 = tpu.vector_load %arg8[%swap3A_341, %swap3A_342, %swap3A_343] {strides = array<i32>} : memref<2x200x64xf32, #tpu.memory_space<vmem>>, vector<1x1x16xf32>,
        %swap3A_345 = vector.shape_cast %swap3A_344 : vector<1x1x16xf32> to vector<16xf32>
        %swap3A_346 = vector.shape_cast %add3A_339 : vector<16xf32> to vector<1x1x16xf32>
        tpu.vector_store %arg8[%swap3A_341, %swap3A_342, %swap3A_343], %swap3A_346 {strides = array<i32>} : memref<2x200x64xf32, #tpu.memory_space<vmem>>, vector<1x1x16xf32>,
        %scan3A_347 = arith.constant 2 : i32
        %scan3A_348 = arith.addi %scan3A_202, %scan3A_347 : i32
        %get3A_349 = arith.constant 0 : i32
        %get3A_350 = arith.index_cast %get3A_349 : i32 to index
        %get3A_351 = arith.index_cast %scan3A_348 : i32 to index
        %get3A_352 = arith.constant 0 : index
        %get3A_353 = tpu.vector_load %arg7[%get3A_350, %get3A_351, %get3A_352] {strides = array<i32>} : memref<2x200x128xf32, #tpu.memory_space<vmem>>, vector<1x1x16xf32>,
        %get3A_354 = vector.shape_cast %get3A_353 : vector<1x1x16xf32> to vector<16xf32>
        %get3A_355 = arith.index_cast %scan3A_348 : i32 to index
        %get3A_356 = arith.constant 0 : index
        %get3A_357 = tpu.vector_load %arg9[%get3A_355, %get3A_356] {strides = array<i32>} : memref<200x64xf32, #tpu.memory_space<vmem>>, vector<1x16xf32>,
        %get3A_358 = vector.shape_cast %get3A_357 : vector<1x16xf32> to vector<16xf32>
        %add3A_359 = arith.addf %get3A_354, %get3A_358 : vector<16xf32>
        %swap3A_360 = arith.constant 0 : i32
        %swap3A_361 = arith.index_cast %swap3A_360 : i32 to index
        %swap3A_362 = arith.index_cast %scan3A_348 : i32 to index
        %swap3A_363 = arith.constant 0 : index
        %swap3A_364 = tpu.vector_load %arg8[%swap3A_361, %swap3A_362, %swap3A_363] {strides = array<i32>} : memref<2x200x64xf32, #tpu.memory_space<vmem>>, vector<1x1x16xf32>,
        %swap3A_365 = vector.shape_cast %swap3A_364 : vector<1x1x16xf32> to vector<16xf32>
        %swap3A_366 = vector.shape_cast %add3A_359 : vector<16xf32> to vector<1x1x16xf32>
        tpu.vector_store %arg8[%swap3A_361, %swap3A_362, %swap3A_363], %swap3A_366 {strides = array<i32>} : memref<2x200x64xf32, #tpu.memory_space<vmem>>, vector<1x1x16xf32>,
        %get3A_367 = arith.constant 0 : i32
        %get3A_368 = arith.index_cast %get3A_367 : i32 to index
        %get3A_369 = arith.index_cast %scan3A_348 : i32 to index
        %get3A_370 = arith.constant 16 : index
        %get3A_371 = tpu.vector_load %arg7[%get3A_368, %get3A_369, %get3A_370] {strides = array<i32>} : memref<2x200x128xf32, #tpu.memory_space<vmem>>, vector<1x1x16xf32>,
        %get3A_372 = vector.shape_cast %get3A_371 : vector<1x1x16xf32> to vector<16xf32>
        %get3A_373 = arith.index_cast %scan3A_348 : i32 to index
        %get3A_374 = arith.constant 16 : index
        %get3A_375 = tpu.vector_load %arg9[%get3A_373, %get3A_374] {strides = array<i32>} : memref<200x64xf32, #tpu.memory_space<vmem>>, vector<1x16xf32>,
        %get3A_376 = vector.shape_cast %get3A_375 : vector<1x16xf32> to vector<16xf32>
        %add3A_377 = arith.addf %get3A_372, %get3A_376 : vector<16xf32>
        %swap3A_378 = arith.constant 0 : i32
        %swap3A_379 = arith.index_cast %swap3A_378 : i32 to index
        %swap3A_380 = arith.index_cast %scan3A_348 : i32 to index
        %swap3A_381 = arith.constant 16 : index
        %swap3A_382 = tpu.vector_load %arg8[%swap3A_379, %swap3A_380, %swap3A_381] {strides = array<i32>} : memref<2x200x64xf32, #tpu.memory_space<vmem>>, vector<1x1x16xf32>,
        %swap3A_383 = vector.shape_cast %swap3A_382 : vector<1x1x16xf32> to vector<16xf32>
        %swap3A_384 = vector.shape_cast %add3A_377 : vector<16xf32> to vector<1x1x16xf32>
        tpu.vector_store %arg8[%swap3A_379, %swap3A_380, %swap3A_381], %swap3A_384 {strides = array<i32>} : memref<2x200x64xf32, #tpu.memory_space<vmem>>, vector<1x1x16xf32>,
        %get3A_385 = arith.constant 0 : i32
        %get3A_386 = arith.index_cast %get3A_385 : i32 to index
        %get3A_387 = arith.index_cast %scan3A_348 : i32 to index
        %get3A_388 = arith.constant 32 : index
        %get3A_389 = tpu.vector_load %arg7[%get3A_386, %get3A_387, %get3A_388] {strides = array<i32>} : memref<2x200x128xf32, #tpu.memory_space<vmem>>, vector<1x1x16xf32>,
        %get3A_390 = vector.shape_cast %get3A_389 : vector<1x1x16xf32> to vector<16xf32>
        %get3A_391 = arith.index_cast %scan3A_348 : i32 to index
        %get3A_392 = arith.constant 32 : index
        %get3A_393 = tpu.vector_load %arg9[%get3A_391, %get3A_392] {strides = array<i32>} : memref<200x64xf32, #tpu.memory_space<vmem>>, vector<1x16xf32>,
        %get3A_394 = vector.shape_cast %get3A_393 : vector<1x16xf32> to vector<16xf32>
        %add3A_395 = arith.addf %get3A_390, %get3A_394 : vector<16xf32>
        %swap3A_396 = arith.constant 0 : i32
        %swap3A_397 = arith.index_cast %swap3A_396 : i32 to index
        %swap3A_398 = arith.index_cast %scan3A_348 : i32 to index
        %swap3A_399 = arith.constant 32 : index
        %swap3A_400 = tpu.vector_load %arg8[%swap3A_397, %swap3A_398, %swap3A_399] {strides = array<i32>} : memref<2x200x64xf32, #tpu.memory_space<vmem>>, vector<1x1x16xf32>,
        %swap3A_401 = vector.shape_cast %swap3A_400 : vector<1x1x16xf32> to vector<16xf32>
        %swap3A_402 = vector.shape_cast %add3A_395 : vector<16xf32> to vector<1x1x16xf32>
        tpu.vector_store %arg8[%swap3A_397, %swap3A_398, %swap3A_399], %swap3A_402 {strides = array<i32>} : memref<2x200x64xf32, #tpu.memory_space<vmem>>, vector<1x1x16xf32>,
        %get3A_403 = arith.constant 0 : i32
        %get3A_404 = arith.index_cast %get3A_403 : i32 to index
        %get3A_405 = arith.index_cast %scan3A_348 : i32 to index
        %get3A_406 = arith.constant 48 : index
        %get3A_407 = tpu.vector_load %arg7[%get3A_404, %get3A_405, %get3A_406] {strides = array<i32>} : memref<2x200x128xf32, #tpu.memory_space<vmem>>, vector<1x1x16xf32>,
        %get3A_408 = vector.shape_cast %get3A_407 : vector<1x1x16xf32> to vector<16xf32>
        %get3A_409 = arith.index_cast %scan3A_348 : i32 to index
        %get3A_410 = arith.constant 48 : index
        %get3A_411 = tpu.vector_load %arg9[%get3A_409, %get3A_410] {strides = array<i32>} : memref<200x64xf32, #tpu.memory_space<vmem>>, vector<1x16xf32>,
        %get3A_412 = vector.shape_cast %get3A_411 : vector<1x16xf32> to vector<16xf32>
        %add3A_413 = arith.addf %get3A_408, %get3A_412 : vector<16xf32>
        %swap3A_414 = arith.constant 0 : i32
        %swap3A_415 = arith.index_cast %swap3A_414 : i32 to index
        %swap3A_416 = arith.index_cast %scan3A_348 : i32 to index
        %swap3A_417 = arith.constant 48 : index
        %swap3A_418 = tpu.vector_load %arg8[%swap3A_415, %swap3A_416, %swap3A_417] {strides = array<i32>} : memref<2x200x64xf32, #tpu.memory_space<vmem>>, vector<1x1x16xf32>,
        %swap3A_419 = vector.shape_cast %swap3A_418 : vector<1x1x16xf32> to vector<16xf32>
        %swap3A_420 = vector.shape_cast %add3A_413 : vector<16xf32> to vector<1x1x16xf32>
        tpu.vector_store %arg8[%swap3A_415, %swap3A_416, %swap3A_417], %swap3A_420 {strides = array<i32>} : memref<2x200x64xf32, #tpu.memory_space<vmem>>, vector<1x1x16xf32>,
        %scan3A_421 = arith.constant 3 : i32
        %scan3A_422 = arith.addi %scan3A_202, %scan3A_421 : i32
        %get3A_423 = arith.constant 0 : i32
        %get3A_424 = arith.index_cast %get3A_423 : i32 to index
        %get3A_425 = arith.index_cast %scan3A_422 : i32 to index
        %get3A_426 = arith.constant 0 : index
        %get3A_427 = tpu.vector_load %arg7[%get3A_424, %get3A_425, %get3A_426] {strides = array<i32>} : memref<2x200x128xf32, #tpu.memory_space<vmem>>, vector<1x1x16xf32>,
        %get3A_428 = vector.shape_cast %get3A_427 : vector<1x1x16xf32> to vector<16xf32>
        %get3A_429 = arith.index_cast %scan3A_422 : i32 to index
        %get3A_430 = arith.constant 0 : index
        %get3A_431 = tpu.vector_load %arg9[%get3A_429, %get3A_430] {strides = array<i32>} : memref<200x64xf32, #tpu.memory_space<vmem>>, vector<1x16xf32>,
        %get3A_432 = vector.shape_cast %get3A_431 : vector<1x16xf32> to vector<16xf32>
        %add3A_433 = arith.addf %get3A_428, %get3A_432 : vector<16xf32>
        %swap3A_434 = arith.constant 0 : i32
        %swap3A_435 = arith.index_cast %swap3A_434 : i32 to index
        %swap3A_436 = arith.index_cast %scan3A_422 : i32 to index
        %swap3A_437 = arith.constant 0 : index
        %swap3A_438 = tpu.vector_load %arg8[%swap3A_435, %swap3A_436, %swap3A_437] {strides = array<i32>} : memref<2x200x64xf32, #tpu.memory_space<vmem>>, vector<1x1x16xf32>,
        %swap3A_439 = vector.shape_cast %swap3A_438 : vector<1x1x16xf32> to vector<16xf32>
        %swap3A_440 = vector.shape_cast %add3A_433 : vector<16xf32> to vector<1x1x16xf32>
        tpu.vector_store %arg8[%swap3A_435, %swap3A_436, %swap3A_437], %swap3A_440 {strides = array<i32>} : memref<2x200x64xf32, #tpu.memory_space<vmem>>, vector<1x1x16xf32>,
        %get3A_441 = arith.constant 0 : i32
        %get3A_442 = arith.index_cast %get3A_441 : i32 to index
        %get3A_443 = arith.index_cast %scan3A_422 : i32 to index
        %get3A_444 = arith.constant 16 : index
        %get3A_445 = tpu.vector_load %arg7[%get3A_442, %get3A_443, %get3A_444] {strides = array<i32>} : memref<2x200x128xf32, #tpu.memory_space<vmem>>, vector<1x1x16xf32>,
        %get3A_446 = vector.shape_cast %get3A_445 : vector<1x1x16xf32> to vector<16xf32>
        %get3A_447 = arith.index_cast %scan3A_422 : i32 to index
        %get3A_448 = arith.constant 16 : index
        %get3A_449 = tpu.vector_load %arg9[%get3A_447, %get3A_448] {strides = array<i32>} : memref<200x64xf32, #tpu.memory_space<vmem>>, vector<1x16xf32>,
        %get3A_450 = vector.shape_cast %get3A_449 : vector<1x16xf32> to vector<16xf32>
        %add3A_451 = arith.addf %get3A_446, %get3A_450 : vector<16xf32>
        %swap3A_452 = arith.constant 0 : i32
        %swap3A_453 = arith.index_cast %swap3A_452 : i32 to index
        %swap3A_454 = arith.index_cast %scan3A_422 : i32 to index
        %swap3A_455 = arith.constant 16 : index
        %swap3A_456 = tpu.vector_load %arg8[%swap3A_453, %swap3A_454, %swap3A_455] {strides = array<i32>} : memref<2x200x64xf32, #tpu.memory_space<vmem>>, vector<1x1x16xf32>,
        %swap3A_457 = vector.shape_cast %swap3A_456 : vector<1x1x16xf32> to vector<16xf32>
        %swap3A_458 = vector.shape_cast %add3A_451 : vector<16xf32> to vector<1x1x16xf32>
        tpu.vector_store %arg8[%swap3A_453, %swap3A_454, %swap3A_455], %swap3A_458 {strides = array<i32>} : memref<2x200x64xf32, #tpu.memory_space<vmem>>, vector<1x1x16xf32>,
        %get3A_459 = arith.constant 0 : i32
        %get3A_460 = arith.index_cast %get3A_459 : i32 to index
        %get3A_461 = arith.index_cast %scan3A_422 : i32 to index
        %get3A_462 = arith.constant 32 : index
        %get3A_463 = tpu.vector_load %arg7[%get3A_460, %get3A_461, %get3A_462] {strides = array<i32>} : memref<2x200x128xf32, #tpu.memory_space<vmem>>, vector<1x1x16xf32>,
        %get3A_464 = vector.shape_cast %get3A_463 : vector<1x1x16xf32> to vector<16xf32>
        %get3A_465 = arith.index_cast %scan3A_422 : i32 to index
        %get3A_466 = arith.constant 32 : index
        %get3A_467 = tpu.vector_load %arg9[%get3A_465, %get3A_466] {strides = array<i32>} : memref<200x64xf32, #tpu.memory_space<vmem>>, vector<1x16xf32>,
        %get3A_468 = vector.shape_cast %get3A_467 : vector<1x16xf32> to vector<16xf32>
        %add3A_469 = arith.addf %get3A_464, %get3A_468 : vector<16xf32>
        %swap3A_470 = arith.constant 0 : i32
        %swap3A_471 = arith.index_cast %swap3A_470 : i32 to index
        %swap3A_472 = arith.index_cast %scan3A_422 : i32 to index
        %swap3A_473 = arith.constant 32 : index
        %swap3A_474 = tpu.vector_load %arg8[%swap3A_471, %swap3A_472, %swap3A_473] {strides = array<i32>} : memref<2x200x64xf32, #tpu.memory_space<vmem>>, vector<1x1x16xf32>,
        %swap3A_475 = vector.shape_cast %swap3A_474 : vector<1x1x16xf32> to vector<16xf32>
        %swap3A_476 = vector.shape_cast %add3A_469 : vector<16xf32> to vector<1x1x16xf32>
        tpu.vector_store %arg8[%swap3A_471, %swap3A_472, %swap3A_473], %swap3A_476 {strides = array<i32>} : memref<2x200x64xf32, #tpu.memory_space<vmem>>, vector<1x1x16xf32>,
        %get3A_477 = arith.constant 0 : i32
        %get3A_478 = arith.index_cast %get3A_477 : i32 to index
        %get3A_479 = arith.index_cast %scan3A_422 : i32 to index
        %get3A_480 = arith.constant 48 : index
        %get3A_481 = tpu.vector_load %arg7[%get3A_478, %get3A_479, %get3A_480] {strides = array<i32>} : memref<2x200x128xf32, #tpu.memory_space<vmem>>, vector<1x1x16xf32>,
        %get3A_482 = vector.shape_cast %get3A_481 : vector<1x1x16xf32> to vector<16xf32>
        %get3A_483 = arith.index_cast %scan3A_422 : i32 to index
        %get3A_484 = arith.constant 48 : index
        %get3A_485 = tpu.vector_load %arg9[%get3A_483, %get3A_484] {strides = array<i32>} : memref<200x64xf32, #tpu.memory_space<vmem>>, vector<1x16xf32>,
        %get3A_486 = vector.shape_cast %get3A_485 : vector<1x16xf32> to vector<16xf32>
        %add3A_487 = arith.addf %get3A_482, %get3A_486 : vector<16xf32>
        %swap3A_488 = arith.constant 0 : i32
        %swap3A_489 = arith.index_cast %swap3A_488 : i32 to index
        %swap3A_490 = arith.index_cast %scan3A_422 : i32 to index
        %swap3A_491 = arith.constant 48 : index
        %swap3A_492 = tpu.vector_load %arg8[%swap3A_489, %swap3A_490, %swap3A_491] {strides = array<i32>} : memref<2x200x64xf32, #tpu.memory_space<vmem>>, vector<1x1x16xf32>,
        %swap3A_493 = vector.shape_cast %swap3A_492 : vector<1x1x16xf32> to vector<16xf32>
        %swap3A_494 = vector.shape_cast %add3A_487 : vector<16xf32> to vector<1x1x16xf32>
        tpu.vector_store %arg8[%swap3A_489, %swap3A_490, %swap3A_491], %swap3A_494 {strides = array<i32>} : memref<2x200x64xf32, #tpu.memory_space<vmem>>, vector<1x1x16xf32>,
        %scan3A_495 = arith.constant 4 : i32
        %scan3A_496 = arith.addi %scan3A_202, %scan3A_495 : i32
        %get3A_497 = arith.constant 0 : i32
        %get3A_498 = arith.index_cast %get3A_497 : i32 to index
        %get3A_499 = arith.index_cast %scan3A_496 : i32 to index
        %get3A_500 = arith.constant 0 : index
        %get3A_501 = tpu.vector_load %arg7[%get3A_498, %get3A_499, %get3A_500] {strides = array<i32>} : memref<2x200x128xf32, #tpu.memory_space<vmem>>, vector<1x1x16xf32>,
        %get3A_502 = vector.shape_cast %get3A_501 : vector<1x1x16xf32> to vector<16xf32>
        %get3A_503 = arith.index_cast %scan3A_496 : i32 to index
        %get3A_504 = arith.constant 0 : index
        %get3A_505 = tpu.vector_load %arg9[%get3A_503, %get3A_504] {strides = array<i32>} : memref<200x64xf32, #tpu.memory_space<vmem>>, vector<1x16xf32>,
        %get3A_506 = vector.shape_cast %get3A_505 : vector<1x16xf32> to vector<16xf32>
        %add3A_507 = arith.addf %get3A_502, %get3A_506 : vector<16xf32>
        %swap3A_508 = arith.constant 0 : i32
        %swap3A_509 = arith.index_cast %swap3A_508 : i32 to index
        %swap3A_510 = arith.index_cast %scan3A_496 : i32 to index
        %swap3A_511 = arith.constant 0 : index
        %swap3A_512 = tpu.vector_load %arg8[%swap3A_509, %swap3A_510, %swap3A_511] {strides = array<i32>} : memref<2x200x64xf32, #tpu.memory_space<vmem>>, vector<1x1x16xf32>,
        %swap3A_513 = vector.shape_cast %swap3A_512 : vector<1x1x16xf32> to vector<16xf32>
        %swap3A_514 = vector.shape_cast %add3A_507 : vector<16xf32> to vector<1x1x16xf32>
        tpu.vector_store %arg8[%swap3A_509, %swap3A_510, %swap3A_511], %swap3A_514 {strides = array<i32>} : memref<2x200x64xf32, #tpu.memory_space<vmem>>, vector<1x1x16xf32>,
        %get3A_515 = arith.constant 0 : i32
        %get3A_516 = arith.index_cast %get3A_515 : i32 to index
        %get3A_517 = arith.index_cast %scan3A_496 : i32 to index
        %get3A_518 = arith.constant 16 : index
        %get3A_519 = tpu.vector_load %arg7[%get3A_516, %get3A_517, %get3A_518] {strides = array<i32>} : memref<2x200x128xf32, #tpu.memory_space<vmem>>, vector<1x1x16xf32>,
        %get3A_520 = vector.shape_cast %get3A_519 : vector<1x1x16xf32> to vector<16xf32>
        %get3A_521 = arith.index_cast %scan3A_496 : i32 to index
        %get3A_522 = arith.constant 16 : index
        %get3A_523 = tpu.vector_load %arg9[%get3A_521, %get3A_522] {strides = array<i32>} : memref<200x64xf32, #tpu.memory_space<vmem>>, vector<1x16xf32>,
        %get3A_524 = vector.shape_cast %get3A_523 : vector<1x16xf32> to vector<16xf32>
        %add3A_525 = arith.addf %get3A_520, %get3A_524 : vector<16xf32>
        %swap3A_526 = arith.constant 0 : i32
        %swap3A_527 = arith.index_cast %swap3A_526 : i32 to index
        %swap3A_528 = arith.index_cast %scan3A_496 : i32 to index
        %swap3A_529 = arith.constant 16 : index
        %swap3A_530 = tpu.vector_load %arg8[%swap3A_527, %swap3A_528, %swap3A_529] {strides = array<i32>} : memref<2x200x64xf32, #tpu.memory_space<vmem>>, vector<1x1x16xf32>,
        %swap3A_531 = vector.shape_cast %swap3A_530 : vector<1x1x16xf32> to vector<16xf32>
        %swap3A_532 = vector.shape_cast %add3A_525 : vector<16xf32> to vector<1x1x16xf32>
        tpu.vector_store %arg8[%swap3A_527, %swap3A_528, %swap3A_529], %swap3A_532 {strides = array<i32>} : memref<2x200x64xf32, #tpu.memory_space<vmem>>, vector<1x1x16xf32>,
        %get3A_533 = arith.constant 0 : i32
        %get3A_534 = arith.index_cast %get3A_533 : i32 to index
        %get3A_535 = arith.index_cast %scan3A_496 : i32 to index
        %get3A_536 = arith.constant 32 : index
        %get3A_537 = tpu.vector_load %arg7[%get3A_534, %get3A_535, %get3A_536] {strides = array<i32>} : memref<2x200x128xf32, #tpu.memory_space<vmem>>, vector<1x1x16xf32>,
        %get3A_538 = vector.shape_cast %get3A_537 : vector<1x1x16xf32> to vector<16xf32>
        %get3A_539 = arith.index_cast %scan3A_496 : i32 to index
        %get3A_540 = arith.constant 32 : index
        %get3A_541 = tpu.vector_load %arg9[%get3A_539, %get3A_540] {strides = array<i32>} : memref<200x64xf32, #tpu.memory_space<vmem>>, vector<1x16xf32>,
        %get3A_542 = vector.shape_cast %get3A_541 : vector<1x16xf32> to vector<16xf32>
        %add3A_543 = arith.addf %get3A_538, %get3A_542 : vector<16xf32>
        %swap3A_544 = arith.constant 0 : i32
        %swap3A_545 = arith.index_cast %swap3A_544 : i32 to index
        %swap3A_546 = arith.index_cast %scan3A_496 : i32 to index
        %swap3A_547 = arith.constant 32 : index
        %swap3A_548 = tpu.vector_load %arg8[%swap3A_545, %swap3A_546, %swap3A_547] {strides = array<i32>} : memref<2x200x64xf32, #tpu.memory_space<vmem>>, vector<1x1x16xf32>,
        %swap3A_549 = vector.shape_cast %swap3A_548 : vector<1x1x16xf32> to vector<16xf32>
        %swap3A_550 = vector.shape_cast %add3A_543 : vector<16xf32> to vector<1x1x16xf32>
        tpu.vector_store %arg8[%swap3A_545, %swap3A_546, %swap3A_547], %swap3A_550 {strides = array<i32>} : memref<2x200x64xf32, #tpu.memory_space<vmem>>, vector<1x1x16xf32>,
        %get3A_551 = arith.constant 0 : i32
        %get3A_552 = arith.index_cast %get3A_551 : i32 to index
        %get3A_553 = arith.index_cast %scan3A_496 : i32 to index
        %get3A_554 = arith.constant 48 : index
        %get3A_555 = tpu.vector_load %arg7[%get3A_552, %get3A_553, %get3A_554] {strides = array<i32>} : memref<2x200x128xf32, #tpu.memory_space<vmem>>, vector<1x1x16xf32>,
        %get3A_556 = vector.shape_cast %get3A_555 : vector<1x1x16xf32> to vector<16xf32>
        %get3A_557 = arith.index_cast %scan3A_496 : i32 to index
        %get3A_558 = arith.constant 48 : index
        %get3A_559 = tpu.vector_load %arg9[%get3A_557, %get3A_558] {strides = array<i32>} : memref<200x64xf32, #tpu.memory_space<vmem>>, vector<1x16xf32>,
        %get3A_560 = vector.shape_cast %get3A_559 : vector<1x16xf32> to vector<16xf32>
        %add3A_561 = arith.addf %get3A_556, %get3A_560 : vector<16xf32>
        %swap3A_562 = arith.constant 0 : i32
        %swap3A_563 = arith.index_cast %swap3A_562 : i32 to index
        %swap3A_564 = arith.index_cast %scan3A_496 : i32 to index
        %swap3A_565 = arith.constant 48 : index
        %swap3A_566 = tpu.vector_load %arg8[%swap3A_563, %swap3A_564, %swap3A_565] {strides = array<i32>} : memref<2x200x64xf32, #tpu.memory_space<vmem>>, vector<1x1x16xf32>,
        %swap3A_567 = vector.shape_cast %swap3A_566 : vector<1x1x16xf32> to vector<16xf32>
        %swap3A_568 = vector.shape_cast %add3A_561 : vector<16xf32> to vector<1x1x16xf32>
        tpu.vector_store %arg8[%swap3A_563, %swap3A_564, %swap3A_565], %swap3A_568 {strides = array<i32>} : memref<2x200x64xf32, #tpu.memory_space<vmem>>, vector<1x1x16xf32>,
        %scan3A_569 = arith.constant 5 : i32
        %scan3A_570 = arith.addi %scan3A_202, %scan3A_569 : i32
        %get3A_571 = arith.constant 0 : i32
        %get3A_572 = arith.index_cast %get3A_571 : i32 to index
        %get3A_573 = arith.index_cast %scan3A_570 : i32 to index
        %get3A_574 = arith.constant 0 : index
        %get3A_575 = tpu.vector_load %arg7[%get3A_572, %get3A_573, %get3A_574] {strides = array<i32>} : memref<2x200x128xf32, #tpu.memory_space<vmem>>, vector<1x1x16xf32>,
        %get3A_576 = vector.shape_cast %get3A_575 : vector<1x1x16xf32> to vector<16xf32>
        %get3A_577 = arith.index_cast %scan3A_570 : i32 to index
        %get3A_578 = arith.constant 0 : index
        %get3A_579 = tpu.vector_load %arg9[%get3A_577, %get3A_578] {strides = array<i32>} : memref<200x64xf32, #tpu.memory_space<vmem>>, vector<1x16xf32>,
        %get3A_580 = vector.shape_cast %get3A_579 : vector<1x16xf32> to vector<16xf32>
        %add3A_581 = arith.addf %get3A_576, %get3A_580 : vector<16xf32>
        %swap3A_582 = arith.constant 0 : i32
        %swap3A_583 = arith.index_cast %swap3A_582 : i32 to index
        %swap3A_584 = arith.index_cast %scan3A_570 : i32 to index
        %swap3A_585 = arith.constant 0 : index
        %swap3A_586 = tpu.vector_load %arg8[%swap3A_583, %swap3A_584, %swap3A_585] {strides = array<i32>} : memref<2x200x64xf32, #tpu.memory_space<vmem>>, vector<1x1x16xf32>,
        %swap3A_587 = vector.shape_cast %swap3A_586 : vector<1x1x16xf32> to vector<16xf32>
        %swap3A_588 = vector.shape_cast %add3A_581 : vector<16xf32> to vector<1x1x16xf32>
        tpu.vector_store %arg8[%swap3A_583, %swap3A_584, %swap3A_585], %swap3A_588 {strides = array<i32>} : memref<2x200x64xf32, #tpu.memory_space<vmem>>, vector<1x1x16xf32>,
        %get3A_589 = arith.constant 0 : i32
        %get3A_590 = arith.index_cast %get3A_589 : i32 to index
        %get3A_591 = arith.index_cast %scan3A_570 : i32 to index
        %get3A_592 = arith.constant 16 : index
        %get3A_593 = tpu.vector_load %arg7[%get3A_590, %get3A_591, %get3A_592] {strides = array<i32>} : memref<2x200x128xf32, #tpu.memory_space<vmem>>, vector<1x1x16xf32>,
        %get3A_594 = vector.shape_cast %get3A_593 : vector<1x1x16xf32> to vector<16xf32>
        %get3A_595 = arith.index_cast %scan3A_570 : i32 to index
        %get3A_596 = arith.constant 16 : index
        %get3A_597 = tpu.vector_load %arg9[%get3A_595, %get3A_596] {strides = array<i32>} : memref<200x64xf32, #tpu.memory_space<vmem>>, vector<1x16xf32>,
        %get3A_598 = vector.shape_cast %get3A_597 : vector<1x16xf32> to vector<16xf32>
        %add3A_599 = arith.addf %get3A_594, %get3A_598 : vector<16xf32>
        %swap3A_600 = arith.constant 0 : i32
        %swap3A_601 = arith.index_cast %swap3A_600 : i32 to index
        %swap3A_602 = arith.index_cast %scan3A_570 : i32 to index
        %swap3A_603 = arith.constant 16 : index
        %swap3A_604 = tpu.vector_load %arg8[%swap3A_601, %swap3A_602, %swap3A_603] {strides = array<i32>} : memref<2x200x64xf32, #tpu.memory_space<vmem>>, vector<1x1x16xf32>,
        %swap3A_605 = vector.shape_cast %swap3A_604 : vector<1x1x16xf32> to vector<16xf32>
        %swap3A_606 = vector.shape_cast %add3A_599 : vector<16xf32> to vector<1x1x16xf32>
        tpu.vector_store %arg8[%swap3A_601, %swap3A_602, %swap3A_603], %swap3A_606 {strides = array<i32>} : memref<2x200x64xf32, #tpu.memory_space<vmem>>, vector<1x1x16xf32>,
        %get3A_607 = arith.constant 0 : i32
        %get3A_608 = arith.index_cast %get3A_607 : i32 to index
        %get3A_609 = arith.index_cast %scan3A_570 : i32 to index
        %get3A_610 = arith.constant 32 : index
        %get3A_611 = tpu.vector_load %arg7[%get3A_608, %get3A_609, %get3A_610] {strides = array<i32>} : memref<2x200x128xf32, #tpu.memory_space<vmem>>, vector<1x1x16xf32>,
        %get3A_612 = vector.shape_cast %get3A_611 : vector<1x1x16xf32> to vector<16xf32>
        %get3A_613 = arith.index_cast %scan3A_570 : i32 to index
        %get3A_614 = arith.constant 32 : index
        %get3A_615 = tpu.vector_load %arg9[%get3A_613, %get3A_614] {strides = array<i32>} : memref<200x64xf32, #tpu.memory_space<vmem>>, vector<1x16xf32>,
        %get3A_616 = vector.shape_cast %get3A_615 : vector<1x16xf32> to vector<16xf32>
        %add3A_617 = arith.addf %get3A_612, %get3A_616 : vector<16xf32>
        %swap3A_618 = arith.constant 0 : i32
        %swap3A_619 = arith.index_cast %swap3A_618 : i32 to index
        %swap3A_620 = arith.index_cast %scan3A_570 : i32 to index
        %swap3A_621 = arith.constant 32 : index
        %swap3A_622 = tpu.vector_load %arg8[%swap3A_619, %swap3A_620, %swap3A_621] {strides = array<i32>} : memref<2x200x64xf32, #tpu.memory_space<vmem>>, vector<1x1x16xf32>,
        %swap3A_623 = vector.shape_cast %swap3A_622 : vector<1x1x16xf32> to vector<16xf32>
        %swap3A_624 = vector.shape_cast %add3A_617 : vector<16xf32> to vector<1x1x16xf32>
        tpu.vector_store %arg8[%swap3A_619, %swap3A_620, %swap3A_621], %swap3A_624 {strides = array<i32>} : memref<2x200x64xf32, #tpu.memory_space<vmem>>, vector<1x1x16xf32>,
        %get3A_625 = arith.constant 0 : i32
        %get3A_626 = arith.index_cast %get3A_625 : i32 to index
        %get3A_627 = arith.index_cast %scan3A_570 : i32 to index
        %get3A_628 = arith.constant 48 : index
        %get3A_629 = tpu.vector_load %arg7[%get3A_626, %get3A_627, %get3A_628] {strides = array<i32>} : memref<2x200x128xf32, #tpu.memory_space<vmem>>, vector<1x1x16xf32>,
        %get3A_630 = vector.shape_cast %get3A_629 : vector<1x1x16xf32> to vector<16xf32>
        %get3A_631 = arith.index_cast %scan3A_570 : i32 to index
        %get3A_632 = arith.constant 48 : index
        %get3A_633 = tpu.vector_load %arg9[%get3A_631, %get3A_632] {strides = array<i32>} : memref<200x64xf32, #tpu.memory_space<vmem>>, vector<1x16xf32>,
        %get3A_634 = vector.shape_cast %get3A_633 : vector<1x16xf32> to vector<16xf32>
        %add3A_635 = arith.addf %get3A_630, %get3A_634 : vector<16xf32>
        %swap3A_636 = arith.constant 0 : i32
        %swap3A_637 = arith.index_cast %swap3A_636 : i32 to index
        %swap3A_638 = arith.index_cast %scan3A_570 : i32 to index
        %swap3A_639 = arith.constant 48 : index
        %swap3A_640 = tpu.vector_load %arg8[%swap3A_637, %swap3A_638, %swap3A_639] {strides = array<i32>} : memref<2x200x64xf32, #tpu.memory_space<vmem>>, vector<1x1x16xf32>,
        %swap3A_641 = vector.shape_cast %swap3A_640 : vector<1x1x16xf32> to vector<16xf32>
        %swap3A_642 = vector.shape_cast %add3A_635 : vector<16xf32> to vector<1x1x16xf32>
        tpu.vector_store %arg8[%swap3A_637, %swap3A_638, %swap3A_639], %swap3A_642 {strides = array<i32>} : memref<2x200x64xf32, #tpu.memory_space<vmem>>, vector<1x1x16xf32>,
        %scan3A_643 = arith.constant 6 : i32
        %scan3A_644 = arith.addi %scan3A_202, %scan3A_643 : i32
        %get3A_645 = arith.constant 0 : i32
        %get3A_646 = arith.index_cast %get3A_645 : i32 to index
        %get3A_647 = arith.index_cast %scan3A_644 : i32 to index
        %get3A_648 = arith.constant 0 : index
        %get3A_649 = tpu.vector_load %arg7[%get3A_646, %get3A_647, %get3A_648] {strides = array<i32>} : memref<2x200x128xf32, #tpu.memory_space<vmem>>, vector<1x1x16xf32>,
        %get3A_650 = vector.shape_cast %get3A_649 : vector<1x1x16xf32> to vector<16xf32>
        %get3A_651 = arith.index_cast %scan3A_644 : i32 to index
        %get3A_652 = arith.constant 0 : index
        %get3A_653 = tpu.vector_load %arg9[%get3A_651, %get3A_652] {strides = array<i32>} : memref<200x64xf32, #tpu.memory_space<vmem>>, vector<1x16xf32>,
        %get3A_654 = vector.shape_cast %get3A_653 : vector<1x16xf32> to vector<16xf32>
        %add3A_655 = arith.addf %get3A_650, %get3A_654 : vector<16xf32>
        %swap3A_656 = arith.constant 0 : i32
        %swap3A_657 = arith.index_cast %swap3A_656 : i32 to index
        %swap3A_658 = arith.index_cast %scan3A_644 : i32 to index
        %swap3A_659 = arith.constant 0 : index
        %swap3A_660 = tpu.vector_load %arg8[%swap3A_657, %swap3A_658, %swap3A_659] {strides = array<i32>} : memref<2x200x64xf32, #tpu.memory_space<vmem>>, vector<1x1x16xf32>,
        %swap3A_661 = vector.shape_cast %swap3A_660 : vector<1x1x16xf32> to vector<16xf32>
        %swap3A_662 = vector.shape_cast %add3A_655 : vector<16xf32> to vector<1x1x16xf32>
        tpu.vector_store %arg8[%swap3A_657, %swap3A_658, %swap3A_659], %swap3A_662 {strides = array<i32>} : memref<2x200x64xf32, #tpu.memory_space<vmem>>, vector<1x1x16xf32>,
        %get3A_663 = arith.constant 0 : i32
        %get3A_664 = arith.index_cast %get3A_663 : i32 to index
        %get3A_665 = arith.index_cast %scan3A_644 : i32 to index
        %get3A_666 = arith.constant 16 : index
        %get3A_667 = tpu.vector_load %arg7[%get3A_664, %get3A_665, %get3A_666] {strides = array<i32>} : memref<2x200x128xf32, #tpu.memory_space<vmem>>, vector<1x1x16xf32>,
        %get3A_668 = vector.shape_cast %get3A_667 : vector<1x1x16xf32> to vector<16xf32>
        %get3A_669 = arith.index_cast %scan3A_644 : i32 to index
        %get3A_670 = arith.constant 16 : index
        %get3A_671 = tpu.vector_load %arg9[%get3A_669, %get3A_670] {strides = array<i32>} : memref<200x64xf32, #tpu.memory_space<vmem>>, vector<1x16xf32>,
        %get3A_672 = vector.shape_cast %get3A_671 : vector<1x16xf32> to vector<16xf32>
        %add3A_673 = arith.addf %get3A_668, %get3A_672 : vector<16xf32>
        %swap3A_674 = arith.constant 0 : i32
        %swap3A_675 = arith.index_cast %swap3A_674 : i32 to index
        %swap3A_676 = arith.index_cast %scan3A_644 : i32 to index
        %swap3A_677 = arith.constant 16 : index
        %swap3A_678 = tpu.vector_load %arg8[%swap3A_675, %swap3A_676, %swap3A_677] {strides = array<i32>} : memref<2x200x64xf32, #tpu.memory_space<vmem>>, vector<1x1x16xf32>,
        %swap3A_679 = vector.shape_cast %swap3A_678 : vector<1x1x16xf32> to vector<16xf32>
        %swap3A_680 = vector.shape_cast %add3A_673 : vector<16xf32> to vector<1x1x16xf32>
        tpu.vector_store %arg8[%swap3A_675, %swap3A_676, %swap3A_677], %swap3A_680 {strides = array<i32>} : memref<2x200x64xf32, #tpu.memory_space<vmem>>, vector<1x1x16xf32>,
        %get3A_681 = arith.constant 0 : i32
        %get3A_682 = arith.index_cast %get3A_681 : i32 to index
        %get3A_683 = arith.index_cast %scan3A_644 : i32 to index
        %get3A_684 = arith.constant 32 : index
        %get3A_685 = tpu.vector_load %arg7[%get3A_682, %get3A_683, %get3A_684] {strides = array<i32>} : memref<2x200x128xf32, #tpu.memory_space<vmem>>, vector<1x1x16xf32>,
        %get3A_686 = vector.shape_cast %get3A_685 : vector<1x1x16xf32> to vector<16xf32>
        %get3A_687 = arith.index_cast %scan3A_644 : i32 to index
        %get3A_688 = arith.constant 32 : index
        %get3A_689 = tpu.vector_load %arg9[%get3A_687, %get3A_688] {strides = array<i32>} : memref<200x64xf32, #tpu.memory_space<vmem>>, vector<1x16xf32>,
        %get3A_690 = vector.shape_cast %get3A_689 : vector<1x16xf32> to vector<16xf32>
        %add3A_691 = arith.addf %get3A_686, %get3A_690 : vector<16xf32>
        %swap3A_692 = arith.constant 0 : i32
        %swap3A_693 = arith.index_cast %swap3A_692 : i32 to index
        %swap3A_694 = arith.index_cast %scan3A_644 : i32 to index
        %swap3A_695 = arith.constant 32 : index
        %swap3A_696 = tpu.vector_load %arg8[%swap3A_693, %swap3A_694, %swap3A_695] {strides = array<i32>} : memref<2x200x64xf32, #tpu.memory_space<vmem>>, vector<1x1x16xf32>,
        %swap3A_697 = vector.shape_cast %swap3A_696 : vector<1x1x16xf32> to vector<16xf32>
        %swap3A_698 = vector.shape_cast %add3A_691 : vector<16xf32> to vector<1x1x16xf32>
        tpu.vector_store %arg8[%swap3A_693, %swap3A_694, %swap3A_695], %swap3A_698 {strides = array<i32>} : memref<2x200x64xf32, #tpu.memory_space<vmem>>, vector<1x1x16xf32>,
        %get3A_699 = arith.constant 0 : i32
        %get3A_700 = arith.index_cast %get3A_699 : i32 to index
        %get3A_701 = arith.index_cast %scan3A_644 : i32 to index
        %get3A_702 = arith.constant 48 : index
        %get3A_703 = tpu.vector_load %arg7[%get3A_700, %get3A_701, %get3A_702] {strides = array<i32>} : memref<2x200x128xf32, #tpu.memory_space<vmem>>, vector<1x1x16xf32>,
        %get3A_704 = vector.shape_cast %get3A_703 : vector<1x1x16xf32> to vector<16xf32>
        %get3A_705 = arith.index_cast %scan3A_644 : i32 to index
        %get3A_706 = arith.constant 48 : index
        %get3A_707 = tpu.vector_load %arg9[%get3A_705, %get3A_706] {strides = array<i32>} : memref<200x64xf32, #tpu.memory_space<vmem>>, vector<1x16xf32>,
        %get3A_708 = vector.shape_cast %get3A_707 : vector<1x16xf32> to vector<16xf32>
        %add3A_709 = arith.addf %get3A_704, %get3A_708 : vector<16xf32>
        %swap3A_710 = arith.constant 0 : i32
        %swap3A_711 = arith.index_cast %swap3A_710 : i32 to index
        %swap3A_712 = arith.index_cast %scan3A_644 : i32 to index
        %swap3A_713 = arith.constant 48 : index
        %swap3A_714 = tpu.vector_load %arg8[%swap3A_711, %swap3A_712, %swap3A_713] {strides = array<i32>} : memref<2x200x64xf32, #tpu.memory_space<vmem>>, vector<1x1x16xf32>,
        %swap3A_715 = vector.shape_cast %swap3A_714 : vector<1x1x16xf32> to vector<16xf32>
        %swap3A_716 = vector.shape_cast %add3A_709 : vector<16xf32> to vector<1x1x16xf32>
        tpu.vector_store %arg8[%swap3A_711, %swap3A_712, %swap3A_713], %swap3A_716 {strides = array<i32>} : memref<2x200x64xf32, #tpu.memory_space<vmem>>, vector<1x1x16xf32>,
        %scan3A_717 = arith.constant 7 : i32
        %scan3A_718 = arith.addi %scan3A_202, %scan3A_717 : i32
        %get3A_719 = arith.constant 0 : i32
        %get3A_720 = arith.index_cast %get3A_719 : i32 to index
        %get3A_721 = arith.index_cast %scan3A_718 : i32 to index
        %get3A_722 = arith.constant 0 : index
        %get3A_723 = tpu.vector_load %arg7[%get3A_720, %get3A_721, %get3A_722] {strides = array<i32>} : memref<2x200x128xf32, #tpu.memory_space<vmem>>, vector<1x1x16xf32>,
        %get3A_724 = vector.shape_cast %get3A_723 : vector<1x1x16xf32> to vector<16xf32>
        %get3A_725 = arith.index_cast %scan3A_718 : i32 to index
        %get3A_726 = arith.constant 0 : index
        %get3A_727 = tpu.vector_load %arg9[%get3A_725, %get3A_726] {strides = array<i32>} : memref<200x64xf32, #tpu.memory_space<vmem>>, vector<1x16xf32>,
        %get3A_728 = vector.shape_cast %get3A_727 : vector<1x16xf32> to vector<16xf32>
        %add3A_729 = arith.addf %get3A_724, %get3A_728 : vector<16xf32>
        %swap3A_730 = arith.constant 0 : i32
        %swap3A_731 = arith.index_cast %swap3A_730 : i32 to index
        %swap3A_732 = arith.index_cast %scan3A_718 : i32 to index
        %swap3A_733 = arith.constant 0 : index
        %swap3A_734 = tpu.vector_load %arg8[%swap3A_731, %swap3A_732, %swap3A_733] {strides = array<i32>} : memref<2x200x64xf32, #tpu.memory_space<vmem>>, vector<1x1x16xf32>,
        %swap3A_735 = vector.shape_cast %swap3A_734 : vector<1x1x16xf32> to vector<16xf32>
        %swap3A_736 = vector.shape_cast %add3A_729 : vector<16xf32> to vector<1x1x16xf32>
        tpu.vector_store %arg8[%swap3A_731, %swap3A_732, %swap3A_733], %swap3A_736 {strides = array<i32>} : memref<2x200x64xf32, #tpu.memory_space<vmem>>, vector<1x1x16xf32>,
        %get3A_737 = arith.constant 0 : i32
        %get3A_738 = arith.index_cast %get3A_737 : i32 to index
        %get3A_739 = arith.index_cast %scan3A_718 : i32 to index
        %get3A_740 = arith.constant 16 : index
        %get3A_741 = tpu.vector_load %arg7[%get3A_738, %get3A_739, %get3A_740] {strides = array<i32>} : memref<2x200x128xf32, #tpu.memory_space<vmem>>, vector<1x1x16xf32>,
        %get3A_742 = vector.shape_cast %get3A_741 : vector<1x1x16xf32> to vector<16xf32>
        %get3A_743 = arith.index_cast %scan3A_718 : i32 to index
        %get3A_744 = arith.constant 16 : index
        %get3A_745 = tpu.vector_load %arg9[%get3A_743, %get3A_744] {strides = array<i32>} : memref<200x64xf32, #tpu.memory_space<vmem>>, vector<1x16xf32>,
        %get3A_746 = vector.shape_cast %get3A_745 : vector<1x16xf32> to vector<16xf32>
        %add3A_747 = arith.addf %get3A_742, %get3A_746 : vector<16xf32>
        %swap3A_748 = arith.constant 0 : i32
        %swap3A_749 = arith.index_cast %swap3A_748 : i32 to index
        %swap3A_750 = arith.index_cast %scan3A_718 : i32 to index
        %swap3A_751 = arith.constant 16 : index
        %swap3A_752 = tpu.vector_load %arg8[%swap3A_749, %swap3A_750, %swap3A_751] {strides = array<i32>} : memref<2x200x64xf32, #tpu.memory_space<vmem>>, vector<1x1x16xf32>,
        %swap3A_753 = vector.shape_cast %swap3A_752 : vector<1x1x16xf32> to vector<16xf32>
        %swap3A_754 = vector.shape_cast %add3A_747 : vector<16xf32> to vector<1x1x16xf32>
        tpu.vector_store %arg8[%swap3A_749, %swap3A_750, %swap3A_751], %swap3A_754 {strides = array<i32>} : memref<2x200x64xf32, #tpu.memory_space<vmem>>, vector<1x1x16xf32>,
        %get3A_755 = arith.constant 0 : i32
        %get3A_756 = arith.index_cast %get3A_755 : i32 to index
        %get3A_757 = arith.index_cast %scan3A_718 : i32 to index
        %get3A_758 = arith.constant 32 : index
        %get3A_759 = tpu.vector_load %arg7[%get3A_756, %get3A_757, %get3A_758] {strides = array<i32>} : memref<2x200x128xf32, #tpu.memory_space<vmem>>, vector<1x1x16xf32>,
        %get3A_760 = vector.shape_cast %get3A_759 : vector<1x1x16xf32> to vector<16xf32>
        %get3A_761 = arith.index_cast %scan3A_718 : i32 to index
        %get3A_762 = arith.constant 32 : index
        %get3A_763 = tpu.vector_load %arg9[%get3A_761, %get3A_762] {strides = array<i32>} : memref<200x64xf32, #tpu.memory_space<vmem>>, vector<1x16xf32>,
        %get3A_764 = vector.shape_cast %get3A_763 : vector<1x16xf32> to vector<16xf32>
        %add3A_765 = arith.addf %get3A_760, %get3A_764 : vector<16xf32>
        %swap3A_766 = arith.constant 0 : i32
        %swap3A_767 = arith.index_cast %swap3A_766 : i32 to index
        %swap3A_768 = arith.index_cast %scan3A_718 : i32 to index
        %swap3A_769 = arith.constant 32 : index
        %swap3A_770 = tpu.vector_load %arg8[%swap3A_767, %swap3A_768, %swap3A_769] {strides = array<i32>} : memref<2x200x64xf32, #tpu.memory_space<vmem>>, vector<1x1x16xf32>,
        %swap3A_771 = vector.shape_cast %swap3A_770 : vector<1x1x16xf32> to vector<16xf32>
        %swap3A_772 = vector.shape_cast %add3A_765 : vector<16xf32> to vector<1x1x16xf32>
        tpu.vector_store %arg8[%swap3A_767, %swap3A_768, %swap3A_769], %swap3A_772 {strides = array<i32>} : memref<2x200x64xf32, #tpu.memory_space<vmem>>, vector<1x1x16xf32>,
        %get3A_773 = arith.constant 0 : i32
        %get3A_774 = arith.index_cast %get3A_773 : i32 to index
        %get3A_775 = arith.index_cast %scan3A_718 : i32 to index
        %get3A_776 = arith.constant 48 : index
        %get3A_777 = tpu.vector_load %arg7[%get3A_774, %get3A_775, %get3A_776] {strides = array<i32>} : memref<2x200x128xf32, #tpu.memory_space<vmem>>, vector<1x1x16xf32>,
        %get3A_778 = vector.shape_cast %get3A_777 : vector<1x1x16xf32> to vector<16xf32>
        %get3A_779 = arith.index_cast %scan3A_718 : i32 to index
        %get3A_780 = arith.constant 48 : index
        %get3A_781 = tpu.vector_load %arg9[%get3A_779, %get3A_780] {strides = array<i32>} : memref<200x64xf32, #tpu.memory_space<vmem>>, vector<1x16xf32>,
        %get3A_782 = vector.shape_cast %get3A_781 : vector<1x16xf32> to vector<16xf32>
        %add3A_783 = arith.addf %get3A_778, %get3A_782 : vector<16xf32>
        %swap3A_784 = arith.constant 0 : i32
        %swap3A_785 = arith.index_cast %swap3A_784 : i32 to index
        %swap3A_786 = arith.index_cast %scan3A_718 : i32 to index
        %swap3A_787 = arith.constant 48 : index
        %swap3A_788 = tpu.vector_load %arg8[%swap3A_785, %swap3A_786, %swap3A_787] {strides = array<i32>} : memref<2x200x64xf32, #tpu.memory_space<vmem>>, vector<1x1x16xf32>,
        %swap3A_789 = vector.shape_cast %swap3A_788 : vector<1x1x16xf32> to vector<16xf32>
        %swap3A_790 = vector.shape_cast %add3A_783 : vector<16xf32> to vector<1x1x16xf32>
        tpu.vector_store %arg8[%swap3A_785, %swap3A_786, %swap3A_787], %swap3A_790 {strides = array<i32>} : memref<2x200x64xf32, #tpu.memory_space<vmem>>, vector<1x1x16xf32>,
      }
      %scan3A_122 = arith.constant 200 : i32
      %add3A_123 = arith.addi %mul3A_2, %add3A_99 : i32
      %dma_start3A_124 = arith.constant 0 : i32
      %dma_start3A_125 = arith.constant 0 : i32
      %dma_start3A_126 = arith.constant 0 : i32
      %dma_start3A_127 = tpu.memref_slice %arg8[%dma_start3A_124, %dma_start3A_125, %dma_start3A_126] : memref<2x200x64xf32, #tpu.memory_space<vmem>> -> memref<1x200x64xf32, #tpu.memory_space<vmem>>
      %dma_start3A_128 = tpu.memref_squeeze %dma_start3A_127 : memref<1x200x64xf32, #tpu.memory_space<vmem>> -> memref<200x64xf32, #tpu.memory_space<vmem>>
      %dma_start3A_129 = arith.constant 0 : i32
      %dma_start3A_130 = arith.constant 0 : i32
      %dma_start3A_131 = tpu.memref_slice %arg5[%add3A_123, %dma_start3A_129, %dma_start3A_130] : memref<4096x200x64xf32, #tpu.memory_space<hbm>> -> memref<1x200x64xf32, #tpu.memory_space<hbm>>
      %dma_start3A_132 = tpu.memref_squeeze %dma_start3A_131 : memref<1x200x64xf32, #tpu.memory_space<hbm>> -> memref<200x64xf32, #tpu.memory_space<hbm>>
      %dma_start3A_133 = arith.constant 0 : i32
      %dma_start3A_134 = arith.constant 0 : i32
      %dma_start3A_135 = tpu.memref_slice %arg5[%add3A_123, %dma_start3A_133, %dma_start3A_134] : memref<4096x200x64xf32, #tpu.memory_space<hbm>> -> memref<1x200x64xf32, #tpu.memory_space<hbm>>
      %dma_start3A_136 = tpu.memref_squeeze %dma_start3A_135 : memref<1x200x64xf32, #tpu.memory_space<hbm>> -> memref<200x64xf32, #tpu.memory_space<hbm>>
      %dma_start3A_137 = arith.constant 0 : i32
      %dma_start3A_138 = arith.constant 0 : i32
      %dma_start3A_139 = tpu.memref_slice %arg8[%dma_start3A_124, %dma_start3A_137, %dma_start3A_138] : memref<2x200x64xf32, #tpu.memory_space<vmem>> -> memref<1x200x64xf32, #tpu.memory_space<vmem>>
      %dma_start3A_140 = tpu.memref_squeeze %dma_start3A_139 : memref<1x200x64xf32, #tpu.memory_space<vmem>> -> memref<200x64xf32, #tpu.memory_space<vmem>>
      tpu.enqueue_dma source(%dma_start3A_140 : memref<200x64xf32, #tpu.memory_space<vmem>>) target(%dma_start3A_136 : memref<200x64xf32, #tpu.memory_space<hbm>>) target_semaphore(%arg12 : memref<!tpu.dma_semaphore, #tpu.memory_space<semaphore_mem>>)
      %add3A_141 = arith.constant 2 : i32
      %add3A_142 = arith.addi %add3A_99, %add3A_141 : i32
      %lt3A = arith.constant 128 : i32
      %lt3A_143 = arith.cmpi slt, %add3A_142, %lt3A : i32
      %convert_element_type3A_144 = arith.extui %lt3A_143 : i1 to i32
      %cond3A_145 = arith.constant 0 : i32
      %cond3A_146 = arith.cmpi ne, %convert_element_type3A_144, %cond3A_145 : i32
      scf.if %cond3A_146 {
        %add3A_202 = arith.constant 2 : i32
        %add3A_203 = arith.addi %add3A_99, %add3A_202 : i32
        %add3A_204 = arith.addi %mul3A_2, %add3A_203 : i32
        %run_scoped3A_205 = arith.constant 0 : i32
        "tpu.region"() ({
          %run_scoped3A_230 = tpu.sem_alloc : memref<!tpu.dma_semaphore, #tpu.memory_space<semaphore_mem>>
          %dma_start3A_231 = arith.constant 0 : i32
          %dma_start3A_232 = tpu.memref_slice %arg6[%run_scoped3A_205, %dma_start3A_231] : memref<2x200xi32, #tpu.memory_space<vmem>> -> memref<1x200xi32, #tpu.memory_space<vmem>>
          %dma_start3A_233 = tpu.memref_squeeze %dma_start3A_232 : memref<1x200xi32, #tpu.memory_space<vmem>> -> memref<200xi32, #tpu.memory_space<vmem>>
          %dma_start3A_234 = arith.constant 0 : i32
          %dma_start3A_235 = tpu.memref_slice %arg2[%add3A_204, %dma_start3A_234] : memref<4096x200xi32, #tpu.memory_space<hbm>> -> memref<1x200xi32, #tpu.memory_space<hbm>>
          %dma_start3A_236 = tpu.memref_squeeze %dma_start3A_235 : memref<1x200xi32, #tpu.memory_space<hbm>> -> memref<200xi32, #tpu.memory_space<hbm>>
          %dma_start3A_237 = arith.constant 0 : i32
          %dma_start3A_238 = tpu.memref_slice %arg6[%run_scoped3A_205, %dma_start3A_237] : memref<2x200xi32, #tpu.memory_space<vmem>> -> memref<1x200xi32, #tpu.memory_space<vmem>>
          %dma_start3A_239 = tpu.memref_squeeze %dma_start3A_238 : memref<1x200xi32, #tpu.memory_space<vmem>> -> memref<200xi32, #tpu.memory_space<vmem>>
          %dma_start3A_240 = arith.constant 0 : i32
          %dma_start3A_241 = tpu.memref_slice %arg2[%add3A_204, %dma_start3A_240] : memref<4096x200xi32, #tpu.memory_space<hbm>> -> memref<1x200xi32, #tpu.memory_space<hbm>>
          %dma_start3A_242 = tpu.memref_squeeze %dma_start3A_241 : memref<1x200xi32, #tpu.memory_space<hbm>> -> memref<200xi32, #tpu.memory_space<hbm>>
          tpu.enqueue_dma source(%dma_start3A_242 : memref<200xi32, #tpu.memory_space<hbm>>) target(%dma_start3A_239 : memref<200xi32, #tpu.memory_space<vmem>>) target_semaphore(%run_scoped3A_230 : memref<!tpu.dma_semaphore, #tpu.memory_space<semaphore_mem>>)
          %dma_wait3A_243 = arith.constant 0 : i32
          %dma_wait3A_244 = tpu.memref_slice %arg6[%run_scoped3A_205, %dma_wait3A_243] : memref<2x200xi32, #tpu.memory_space<vmem>> -> memref<1x200xi32, #tpu.memory_space<vmem>>
          %dma_wait3A_245 = tpu.memref_squeeze %dma_wait3A_244 : memref<1x200xi32, #tpu.memory_space<vmem>> -> memref<200xi32, #tpu.memory_space<vmem>>
          %dma_wait3A_246 = arith.constant 0 : i32
          %dma_wait3A_247 = tpu.memref_slice %arg2[%add3A_204, %dma_wait3A_246] : memref<4096x200xi32, #tpu.memory_space<hbm>> -> memref<1x200xi32, #tpu.memory_space<hbm>>
          %dma_wait3A_248 = tpu.memref_squeeze %dma_wait3A_247 : memref<1x200xi32, #tpu.memory_space<hbm>> -> memref<200xi32, #tpu.memory_space<hbm>>
          %dma_wait3A_249 = arith.constant 0 : i32
          %dma_wait3A_250 = tpu.memref_slice %arg6[%run_scoped3A_205, %dma_wait3A_249] : memref<2x200xi32, #tpu.memory_space<vmem>> -> memref<1x200xi32, #tpu.memory_space<vmem>>
          %dma_wait3A_251 = tpu.memref_squeeze %dma_wait3A_250 : memref<1x200xi32, #tpu.memory_space<vmem>> -> memref<200xi32, #tpu.memory_space<vmem>>
          %dma_wait3A_252 = arith.constant 0 : i32
          %dma_wait3A_253 = tpu.memref_slice %arg2[%add3A_204, %dma_wait3A_252] : memref<4096x200xi32, #tpu.memory_space<hbm>> -> memref<1x200xi32, #tpu.memory_space<hbm>>
          %dma_wait3A_254 = tpu.memref_squeeze %dma_wait3A_253 : memref<1x200xi32, #tpu.memory_space<hbm>> -> memref<200xi32, #tpu.memory_space<hbm>>
          tpu.wait_dma2 semaphore(%run_scoped3A_230 : memref<!tpu.dma_semaphore, #tpu.memory_space<semaphore_mem>>) src(%dma_wait3A_254 : memref<200xi32, #tpu.memory_space<hbm>>) dst(%dma_wait3A_251 : memref<200xi32, #tpu.memory_space<vmem>>)
          tpu.yield
        }) : () -> ()
        %dma_start3A_206 = arith.constant 0 : i32
        %dma_start3A_207 = arith.constant 0 : i32
        %dma_start3A_208 = arith.constant 0 : i32
        %dma_start3A_209 = arith.constant 0 : i32
        %dma_start3A_210 = tpu.memref_slice %arg7[%dma_start3A_207, %dma_start3A_208, %dma_start3A_209] : memref<2x200x128xf32, #tpu.memory_space<vmem>> -> memref<1x128x128xf32, #tpu.memory_space<vmem>>
        %dma_start3A_211 = tpu.memref_squeeze %dma_start3A_210 : memref<1x128x128xf32, #tpu.memory_space<vmem>> -> memref<128x128xf32, #tpu.memory_space<vmem>>
        %dma_start3A_212 = arith.constant 0 : i32
        %dma_start3A_213 = tpu.memref_slice %arg6[%dma_start3A_206, %dma_start3A_212] : memref<2x200xi32, #tpu.memory_space<vmem>> -> memref<1x128xi32, #tpu.memory_space<vmem>>
        %dma_start3A_214 = tpu.memref_squeeze %dma_start3A_213 : memref<1x128xi32, #tpu.memory_space<vmem>> -> memref<128xi32, #tpu.memory_space<vmem>>
        %dma_start3A_215 = arith.constant 0 : i32
        %dma_start3A_216 = arith.constant 0 : i32
        %dma_start3A_217 = tpu.memref_slice %arg3[%dma_start3A_215, %dma_start3A_216] : memref<1000000x128xf32, #tpu.memory_space<hbm>> -> memref<1000000x128xf32, #tpu.memory_space<hbm>>
        tpu.enqueue_indirect_dma source(%dma_start3A_217 : memref<1000000x128xf32, #tpu.memory_space<hbm>>) target(%dma_start3A_211 : memref<128x128xf32, #tpu.memory_space<vmem>>) offsets(%dma_start3A_214 : memref<128xi32, #tpu.memory_space<vmem>>) semaphore(%arg10 : memref<!tpu.dma_semaphore, #tpu.memory_space<semaphore_mem>>)
        %dma_start3A_218 = arith.constant 0 : i32
        %dma_start3A_219 = arith.constant 0 : i32
        %dma_start3A_220 = arith.constant 128 : i32
        %dma_start3A_221 = arith.constant 0 : i32
        %dma_start3A_222 = tpu.memref_slice %arg7[%dma_start3A_219, %dma_start3A_220, %dma_start3A_221] : memref<2x200x128xf32, #tpu.memory_space<vmem>> -> memref<1x72x128xf32, #tpu.memory_space<vmem>>
        %dma_start3A_223 = tpu.memref_squeeze %dma_start3A_222 : memref<1x72x128xf32, #tpu.memory_space<vmem>> -> memref<72x128xf32, #tpu.memory_space<vmem>>
        %dma_start3A_224 = arith.constant 128 : i32
        %dma_start3A_225 = tpu.memref_slice %arg6[%dma_start3A_218, %dma_start3A_224] : memref<2x200xi32, #tpu.memory_space<vmem>> -> memref<1x72xi32, #tpu.memory_space<vmem>>
        %dma_start3A_226 = tpu.memref_squeeze %dma_start3A_225 : memref<1x72xi32, #tpu.memory_space<vmem>> -> memref<72xi32, #tpu.memory_space<vmem>>
        %dma_start3A_227 = arith.constant 0 : i32
        %dma_start3A_228 = arith.constant 0 : i32
        %dma_start3A_229 = tpu.memref_slice %arg3[%dma_start3A_227, %dma_start3A_228] : memref<1000000x128xf32, #tpu.memory_space<hbm>> -> memref<1000000x128xf32, #tpu.memory_space<hbm>>
        tpu.enqueue_indirect_dma source(%dma_start3A_229 : memref<1000000x128xf32, #tpu.memory_space<hbm>>) target(%dma_start3A_223 : memref<72x128xf32, #tpu.memory_space<vmem>>) offsets(%dma_start3A_226 : memref<72xi32, #tpu.memory_space<vmem>>) semaphore(%arg10 : memref<!tpu.dma_semaphore, #tpu.memory_space<semaphore_mem>>)
      } else {
      }
      %mul3A_147 = arith.constant 2 : i32
      %mul3A_148 = arith.muli %scan3A_95, %mul3A_147 : i32
      %add3A_149 = arith.constant 1 : i32
      %add3A_150 = arith.addi %mul3A_148, %add3A_149 : i32
      %dma_wait3A_151 = arith.constant 1 : i32
      %dma_wait3A_152 = arith.constant 0 : i32
      %dma_wait3A_153 = arith.constant 0 : i32
      %dma_wait3A_154 = tpu.memref_slice %arg7[%dma_wait3A_151, %dma_wait3A_152, %dma_wait3A_153] : memref<2x200x128xf32, #tpu.memory_space<vmem>> -> memref<1x200x128xf32, #tpu.memory_space<vmem>>
      %dma_wait3A_155 = tpu.memref_squeeze %dma_wait3A_154 : memref<1x200x128xf32, #tpu.memory_space<vmem>> -> memref<200x128xf32, #tpu.memory_space<vmem>>
      %dma_wait3A_156 = arith.constant 0 : i32
      %dma_wait3A_157 = arith.constant 0 : i32
      %dma_wait3A_158 = tpu.memref_slice %arg3[%dma_wait3A_156, %dma_wait3A_157] : memref<1000000x128xf32, #tpu.memory_space<hbm>> -> memref<200x128xf32, #tpu.memory_space<hbm>>
      %dma_wait3A_159 = arith.constant 0 : i32
      %dma_wait3A_160 = arith.constant 0 : i32
      %dma_wait3A_161 = tpu.memref_slice %arg7[%dma_wait3A_151, %dma_wait3A_159, %dma_wait3A_160] : memref<2x200x128xf32, #tpu.memory_space<vmem>> -> memref<1x200x128xf32, #tpu.memory_space<vmem>>
      %dma_wait3A_162 = tpu.memref_squeeze %dma_wait3A_161 : memref<1x200x128xf32, #tpu.memory_space<vmem>> -> memref<200x128xf32, #tpu.memory_space<vmem>>
      %dma_wait3A_163 = arith.constant 0 : i32
      %dma_wait3A_164 = arith.constant 0 : i32
      %dma_wait3A_165 = tpu.memref_slice %arg3[%dma_wait3A_163, %dma_wait3A_164] : memref<1000000x128xf32, #tpu.memory_space<hbm>> -> memref<200x128xf32, #tpu.memory_space<hbm>>
      tpu.wait_dma2 semaphore(%arg11 : memref<!tpu.dma_semaphore, #tpu.memory_space<semaphore_mem>>) src(%dma_wait3A_165 : memref<200x128xf32, #tpu.memory_space<hbm>>) dst(%dma_wait3A_162 : memref<200x128xf32, #tpu.memory_space<vmem>>)
      %ge3A_166 = arith.constant 2 : i32
      %ge3A_167 = arith.cmpi sge, %add3A_150, %ge3A_166 : i32
      %convert_element_type3A_168 = arith.extui %ge3A_167 : i1 to i32
      %cond3A_169 = arith.constant 0 : i32
      %cond3A_170 = arith.cmpi ne, %convert_element_type3A_168, %cond3A_169 : i32
      scf.if %cond3A_170 {
        %dma_wait3A_202 = arith.constant 1 : i32
        %dma_wait3A_203 = arith.constant 0 : i32
        %dma_wait3A_204 = arith.constant 0 : i32
        %dma_wait3A_205 = arith.constant 0 : i32
        %dma_wait3A_206 = tpu.memref_slice %arg8[%dma_wait3A_202, %dma_wait3A_204, %dma_wait3A_205] : memref<2x200x64xf32, #tpu.memory_space<vmem>> -> memref<1x200x64xf32, #tpu.memory_space<vmem>>
        %dma_wait3A_207 = tpu.memref_squeeze %dma_wait3A_206 : memref<1x200x64xf32, #tpu.memory_space<vmem>> -> memref<200x64xf32, #tpu.memory_space<vmem>>
        %dma_wait3A_208 = arith.constant 0 : i32
        %dma_wait3A_209 = arith.constant 0 : i32
        %dma_wait3A_210 = tpu.memref_slice %arg5[%dma_wait3A_203, %dma_wait3A_208, %dma_wait3A_209] : memref<4096x200x64xf32, #tpu.memory_space<hbm>> -> memref<1x200x64xf32, #tpu.memory_space<hbm>>
        %dma_wait3A_211 = tpu.memref_squeeze %dma_wait3A_210 : memref<1x200x64xf32, #tpu.memory_space<hbm>> -> memref<200x64xf32, #tpu.memory_space<hbm>>
        %dma_wait3A_212 = arith.constant 0 : i32
        %dma_wait3A_213 = arith.constant 0 : i32
        %dma_wait3A_214 = tpu.memref_slice %arg5[%dma_wait3A_203, %dma_wait3A_212, %dma_wait3A_213] : memref<4096x200x64xf32, #tpu.memory_space<hbm>> -> memref<1x200x64xf32, #tpu.memory_space<hbm>>
        %dma_wait3A_215 = tpu.memref_squeeze %dma_wait3A_214 : memref<1x200x64xf32, #tpu.memory_space<hbm>> -> memref<200x64xf32, #tpu.memory_space<hbm>>
        %dma_wait3A_216 = arith.constant 0 : i32
        %dma_wait3A_217 = arith.constant 0 : i32
        %dma_wait3A_218 = tpu.memref_slice %arg8[%dma_wait3A_202, %dma_wait3A_216, %dma_wait3A_217] : memref<2x200x64xf32, #tpu.memory_space<vmem>> -> memref<1x200x64xf32, #tpu.memory_space<vmem>>
        %dma_wait3A_219 = tpu.memref_squeeze %dma_wait3A_218 : memref<1x200x64xf32, #tpu.memory_space<vmem>> -> memref<200x64xf32, #tpu.memory_space<vmem>>
        tpu.wait_dma2 semaphore(%arg13 : memref<!tpu.dma_semaphore, #tpu.memory_space<semaphore_mem>>) src(%dma_wait3A_219 : memref<200x64xf32, #tpu.memory_space<vmem>>) dst(%dma_wait3A_215 : memref<200x64xf32, #tpu.memory_space<hbm>>)
      } else {
      }
      %scan3A_171 = arith.constant 0 : i32
      %scan3A_172 = arith.constant 0 : i32
      %scan3A_173 = arith.constant 200 : i32
      %scan3A_174 = arith.addi %scan3A_172, %scan3A_173 : i32
      %scan3A_175 = arith.constant 8 : i32
      scf.for %scan3A_202 = %scan3A_172 to %scan3A_174 step %scan3A_175  : i32 {
        %get3A = arith.constant 1 : i32
        %get3A_203 = arith.index_cast %get3A : i32 to index
        %get3A_204 = arith.index_cast %scan3A_202 : i32 to index
        %get3A_205 = arith.constant 0 : index
        %get3A_206 = tpu.vector_load %arg7[%get3A_203, %get3A_204, %get3A_205] {strides = array<i32>} : memref<2x200x128xf32, #tpu.memory_space<vmem>>, vector<1x1x16xf32>,
        %get3A_207 = vector.shape_cast %get3A_206 : vector<1x1x16xf32> to vector<16xf32>
        %get3A_208 = arith.index_cast %scan3A_202 : i32 to index
        %get3A_209 = arith.constant 0 : index
        %get3A_210 = tpu.vector_load %arg9[%get3A_208, %get3A_209] {strides = array<i32>} : memref<200x64xf32, #tpu.memory_space<vmem>>, vector<1x16xf32>,
        %get3A_211 = vector.shape_cast %get3A_210 : vector<1x16xf32> to vector<16xf32>
        %add3A_212 = arith.addf %get3A_207, %get3A_211 : vector<16xf32>
        %swap3A = arith.constant 1 : i32
        %swap3A_213 = arith.index_cast %swap3A : i32 to index
        %swap3A_214 = arith.index_cast %scan3A_202 : i32 to index
        %swap3A_215 = arith.constant 0 : index
        %swap3A_216 = tpu.vector_load %arg8[%swap3A_213, %swap3A_214, %swap3A_215] {strides = array<i32>} : memref<2x200x64xf32, #tpu.memory_space<vmem>>, vector<1x1x16xf32>,
        %swap3A_217 = vector.shape_cast %swap3A_216 : vector<1x1x16xf32> to vector<16xf32>
        %swap3A_218 = vector.shape_cast %add3A_212 : vector<16xf32> to vector<1x1x16xf32>
        tpu.vector_store %arg8[%swap3A_213, %swap3A_214, %swap3A_215], %swap3A_218 {strides = array<i32>} : memref<2x200x64xf32, #tpu.memory_space<vmem>>, vector<1x1x16xf32>,
        %get3A_219 = arith.constant 1 : i32
        %get3A_220 = arith.index_cast %get3A_219 : i32 to index
        %get3A_221 = arith.index_cast %scan3A_202 : i32 to index
        %get3A_222 = arith.constant 16 : index
        %get3A_223 = tpu.vector_load %arg7[%get3A_220, %get3A_221, %get3A_222] {strides = array<i32>} : memref<2x200x128xf32, #tpu.memory_space<vmem>>, vector<1x1x16xf32>,
        %get3A_224 = vector.shape_cast %get3A_223 : vector<1x1x16xf32> to vector<16xf32>
        %get3A_225 = arith.index_cast %scan3A_202 : i32 to index
        %get3A_226 = arith.constant 16 : index
        %get3A_227 = tpu.vector_load %arg9[%get3A_225, %get3A_226] {strides = array<i32>} : memref<200x64xf32, #tpu.memory_space<vmem>>, vector<1x16xf32>,
        %get3A_228 = vector.shape_cast %get3A_227 : vector<1x16xf32> to vector<16xf32>
        %add3A_229 = arith.addf %get3A_224, %get3A_228 : vector<16xf32>
        %swap3A_230 = arith.constant 1 : i32
        %swap3A_231 = arith.index_cast %swap3A_230 : i32 to index
        %swap3A_232 = arith.index_cast %scan3A_202 : i32 to index
        %swap3A_233 = arith.constant 16 : index
        %swap3A_234 = tpu.vector_load %arg8[%swap3A_231, %swap3A_232, %swap3A_233] {strides = array<i32>} : memref<2x200x64xf32, #tpu.memory_space<vmem>>, vector<1x1x16xf32>,
        %swap3A_235 = vector.shape_cast %swap3A_234 : vector<1x1x16xf32> to vector<16xf32>
        %swap3A_236 = vector.shape_cast %add3A_229 : vector<16xf32> to vector<1x1x16xf32>
        tpu.vector_store %arg8[%swap3A_231, %swap3A_232, %swap3A_233], %swap3A_236 {strides = array<i32>} : memref<2x200x64xf32, #tpu.memory_space<vmem>>, vector<1x1x16xf32>,
        %get3A_237 = arith.constant 1 : i32
        %get3A_238 = arith.index_cast %get3A_237 : i32 to index
        %get3A_239 = arith.index_cast %scan3A_202 : i32 to index
        %get3A_240 = arith.constant 32 : index
        %get3A_241 = tpu.vector_load %arg7[%get3A_238, %get3A_239, %get3A_240] {strides = array<i32>} : memref<2x200x128xf32, #tpu.memory_space<vmem>>, vector<1x1x16xf32>,
        %get3A_242 = vector.shape_cast %get3A_241 : vector<1x1x16xf32> to vector<16xf32>
        %get3A_243 = arith.index_cast %scan3A_202 : i32 to index
        %get3A_244 = arith.constant 32 : index
        %get3A_245 = tpu.vector_load %arg9[%get3A_243, %get3A_244] {strides = array<i32>} : memref<200x64xf32, #tpu.memory_space<vmem>>, vector<1x16xf32>,
        %get3A_246 = vector.shape_cast %get3A_245 : vector<1x16xf32> to vector<16xf32>
        %add3A_247 = arith.addf %get3A_242, %get3A_246 : vector<16xf32>
        %swap3A_248 = arith.constant 1 : i32
        %swap3A_249 = arith.index_cast %swap3A_248 : i32 to index
        %swap3A_250 = arith.index_cast %scan3A_202 : i32 to index
        %swap3A_251 = arith.constant 32 : index
        %swap3A_252 = tpu.vector_load %arg8[%swap3A_249, %swap3A_250, %swap3A_251] {strides = array<i32>} : memref<2x200x64xf32, #tpu.memory_space<vmem>>, vector<1x1x16xf32>,
        %swap3A_253 = vector.shape_cast %swap3A_252 : vector<1x1x16xf32> to vector<16xf32>
        %swap3A_254 = vector.shape_cast %add3A_247 : vector<16xf32> to vector<1x1x16xf32>
        tpu.vector_store %arg8[%swap3A_249, %swap3A_250, %swap3A_251], %swap3A_254 {strides = array<i32>} : memref<2x200x64xf32, #tpu.memory_space<vmem>>, vector<1x1x16xf32>,
        %get3A_255 = arith.constant 1 : i32
        %get3A_256 = arith.index_cast %get3A_255 : i32 to index
        %get3A_257 = arith.index_cast %scan3A_202 : i32 to index
        %get3A_258 = arith.constant 48 : index
        %get3A_259 = tpu.vector_load %arg7[%get3A_256, %get3A_257, %get3A_258] {strides = array<i32>} : memref<2x200x128xf32, #tpu.memory_space<vmem>>, vector<1x1x16xf32>,
        %get3A_260 = vector.shape_cast %get3A_259 : vector<1x1x16xf32> to vector<16xf32>
        %get3A_261 = arith.index_cast %scan3A_202 : i32 to index
        %get3A_262 = arith.constant 48 : index
        %get3A_263 = tpu.vector_load %arg9[%get3A_261, %get3A_262] {strides = array<i32>} : memref<200x64xf32, #tpu.memory_space<vmem>>, vector<1x16xf32>,
        %get3A_264 = vector.shape_cast %get3A_263 : vector<1x16xf32> to vector<16xf32>
        %add3A_265 = arith.addf %get3A_260, %get3A_264 : vector<16xf32>
        %swap3A_266 = arith.constant 1 : i32
        %swap3A_267 = arith.index_cast %swap3A_266 : i32 to index
        %swap3A_268 = arith.index_cast %scan3A_202 : i32 to index
        %swap3A_269 = arith.constant 48 : index
        %swap3A_270 = tpu.vector_load %arg8[%swap3A_267, %swap3A_268, %swap3A_269] {strides = array<i32>} : memref<2x200x64xf32, #tpu.memory_space<vmem>>, vector<1x1x16xf32>,
        %swap3A_271 = vector.shape_cast %swap3A_270 : vector<1x1x16xf32> to vector<16xf32>
        %swap3A_272 = vector.shape_cast %add3A_265 : vector<16xf32> to vector<1x1x16xf32>
        tpu.vector_store %arg8[%swap3A_267, %swap3A_268, %swap3A_269], %swap3A_272 {strides = array<i32>} : memref<2x200x64xf32, #tpu.memory_space<vmem>>, vector<1x1x16xf32>,
        %scan3A_273 = arith.constant 1 : i32
        %scan3A_274 = arith.addi %scan3A_202, %scan3A_273 : i32
        %get3A_275 = arith.constant 1 : i32
        %get3A_276 = arith.index_cast %get3A_275 : i32 to index
        %get3A_277 = arith.index_cast %scan3A_274 : i32 to index
        %get3A_278 = arith.constant 0 : index
        %get3A_279 = tpu.vector_load %arg7[%get3A_276, %get3A_277, %get3A_278] {strides = array<i32>} : memref<2x200x128xf32, #tpu.memory_space<vmem>>, vector<1x1x16xf32>,
        %get3A_280 = vector.shape_cast %get3A_279 : vector<1x1x16xf32> to vector<16xf32>
        %get3A_281 = arith.index_cast %scan3A_274 : i32 to index
        %get3A_282 = arith.constant 0 : index
        %get3A_283 = tpu.vector_load %arg9[%get3A_281, %get3A_282] {strides = array<i32>} : memref<200x64xf32, #tpu.memory_space<vmem>>, vector<1x16xf32>,
        %get3A_284 = vector.shape_cast %get3A_283 : vector<1x16xf32> to vector<16xf32>
        %add3A_285 = arith.addf %get3A_280, %get3A_284 : vector<16xf32>
        %swap3A_286 = arith.constant 1 : i32
        %swap3A_287 = arith.index_cast %swap3A_286 : i32 to index
        %swap3A_288 = arith.index_cast %scan3A_274 : i32 to index
        %swap3A_289 = arith.constant 0 : index
        %swap3A_290 = tpu.vector_load %arg8[%swap3A_287, %swap3A_288, %swap3A_289] {strides = array<i32>} : memref<2x200x64xf32, #tpu.memory_space<vmem>>, vector<1x1x16xf32>,
        %swap3A_291 = vector.shape_cast %swap3A_290 : vector<1x1x16xf32> to vector<16xf32>
        %swap3A_292 = vector.shape_cast %add3A_285 : vector<16xf32> to vector<1x1x16xf32>
        tpu.vector_store %arg8[%swap3A_287, %swap3A_288, %swap3A_289], %swap3A_292 {strides = array<i32>} : memref<2x200x64xf32, #tpu.memory_space<vmem>>, vector<1x1x16xf32>,
        %get3A_293 = arith.constant 1 : i32
        %get3A_294 = arith.index_cast %get3A_293 : i32 to index
        %get3A_295 = arith.index_cast %scan3A_274 : i32 to index
        %get3A_296 = arith.constant 16 : index
        %get3A_297 = tpu.vector_load %arg7[%get3A_294, %get3A_295, %get3A_296] {strides = array<i32>} : memref<2x200x128xf32, #tpu.memory_space<vmem>>, vector<1x1x16xf32>,
        %get3A_298 = vector.shape_cast %get3A_297 : vector<1x1x16xf32> to vector<16xf32>
        %get3A_299 = arith.index_cast %scan3A_274 : i32 to index
        %get3A_300 = arith.constant 16 : index
        %get3A_301 = tpu.vector_load %arg9[%get3A_299, %get3A_300] {strides = array<i32>} : memref<200x64xf32, #tpu.memory_space<vmem>>, vector<1x16xf32>,
        %get3A_302 = vector.shape_cast %get3A_301 : vector<1x16xf32> to vector<16xf32>
        %add3A_303 = arith.addf %get3A_298, %get3A_302 : vector<16xf32>
        %swap3A_304 = arith.constant 1 : i32
        %swap3A_305 = arith.index_cast %swap3A_304 : i32 to index
        %swap3A_306 = arith.index_cast %scan3A_274 : i32 to index
        %swap3A_307 = arith.constant 16 : index
        %swap3A_308 = tpu.vector_load %arg8[%swap3A_305, %swap3A_306, %swap3A_307] {strides = array<i32>} : memref<2x200x64xf32, #tpu.memory_space<vmem>>, vector<1x1x16xf32>,
        %swap3A_309 = vector.shape_cast %swap3A_308 : vector<1x1x16xf32> to vector<16xf32>
        %swap3A_310 = vector.shape_cast %add3A_303 : vector<16xf32> to vector<1x1x16xf32>
        tpu.vector_store %arg8[%swap3A_305, %swap3A_306, %swap3A_307], %swap3A_310 {strides = array<i32>} : memref<2x200x64xf32, #tpu.memory_space<vmem>>, vector<1x1x16xf32>,
        %get3A_311 = arith.constant 1 : i32
        %get3A_312 = arith.index_cast %get3A_311 : i32 to index
        %get3A_313 = arith.index_cast %scan3A_274 : i32 to index
        %get3A_314 = arith.constant 32 : index
        %get3A_315 = tpu.vector_load %arg7[%get3A_312, %get3A_313, %get3A_314] {strides = array<i32>} : memref<2x200x128xf32, #tpu.memory_space<vmem>>, vector<1x1x16xf32>,
        %get3A_316 = vector.shape_cast %get3A_315 : vector<1x1x16xf32> to vector<16xf32>
        %get3A_317 = arith.index_cast %scan3A_274 : i32 to index
        %get3A_318 = arith.constant 32 : index
        %get3A_319 = tpu.vector_load %arg9[%get3A_317, %get3A_318] {strides = array<i32>} : memref<200x64xf32, #tpu.memory_space<vmem>>, vector<1x16xf32>,
        %get3A_320 = vector.shape_cast %get3A_319 : vector<1x16xf32> to vector<16xf32>
        %add3A_321 = arith.addf %get3A_316, %get3A_320 : vector<16xf32>
        %swap3A_322 = arith.constant 1 : i32
        %swap3A_323 = arith.index_cast %swap3A_322 : i32 to index
        %swap3A_324 = arith.index_cast %scan3A_274 : i32 to index
        %swap3A_325 = arith.constant 32 : index
        %swap3A_326 = tpu.vector_load %arg8[%swap3A_323, %swap3A_324, %swap3A_325] {strides = array<i32>} : memref<2x200x64xf32, #tpu.memory_space<vmem>>, vector<1x1x16xf32>,
        %swap3A_327 = vector.shape_cast %swap3A_326 : vector<1x1x16xf32> to vector<16xf32>
        %swap3A_328 = vector.shape_cast %add3A_321 : vector<16xf32> to vector<1x1x16xf32>
        tpu.vector_store %arg8[%swap3A_323, %swap3A_324, %swap3A_325], %swap3A_328 {strides = array<i32>} : memref<2x200x64xf32, #tpu.memory_space<vmem>>, vector<1x1x16xf32>,
        %get3A_329 = arith.constant 1 : i32
        %get3A_330 = arith.index_cast %get3A_329 : i32 to index
        %get3A_331 = arith.index_cast %scan3A_274 : i32 to index
        %get3A_332 = arith.constant 48 : index
        %get3A_333 = tpu.vector_load %arg7[%get3A_330, %get3A_331, %get3A_332] {strides = array<i32>} : memref<2x200x128xf32, #tpu.memory_space<vmem>>, vector<1x1x16xf32>,
        %get3A_334 = vector.shape_cast %get3A_333 : vector<1x1x16xf32> to vector<16xf32>
        %get3A_335 = arith.index_cast %scan3A_274 : i32 to index
        %get3A_336 = arith.constant 48 : index
        %get3A_337 = tpu.vector_load %arg9[%get3A_335, %get3A_336] {strides = array<i32>} : memref<200x64xf32, #tpu.memory_space<vmem>>, vector<1x16xf32>,
        %get3A_338 = vector.shape_cast %get3A_337 : vector<1x16xf32> to vector<16xf32>
        %add3A_339 = arith.addf %get3A_334, %get3A_338 : vector<16xf32>
        %swap3A_340 = arith.constant 1 : i32
        %swap3A_341 = arith.index_cast %swap3A_340 : i32 to index
        %swap3A_342 = arith.index_cast %scan3A_274 : i32 to index
        %swap3A_343 = arith.constant 48 : index
        %swap3A_344 = tpu.vector_load %arg8[%swap3A_341, %swap3A_342, %swap3A_343] {strides = array<i32>} : memref<2x200x64xf32, #tpu.memory_space<vmem>>, vector<1x1x16xf32>,
        %swap3A_345 = vector.shape_cast %swap3A_344 : vector<1x1x16xf32> to vector<16xf32>
        %swap3A_346 = vector.shape_cast %add3A_339 : vector<16xf32> to vector<1x1x16xf32>
        tpu.vector_store %arg8[%swap3A_341, %swap3A_342, %swap3A_343], %swap3A_346 {strides = array<i32>} : memref<2x200x64xf32, #tpu.memory_space<vmem>>, vector<1x1x16xf32>,
        %scan3A_347 = arith.constant 2 : i32
        %scan3A_348 = arith.addi %scan3A_202, %scan3A_347 : i32
        %get3A_349 = arith.constant 1 : i32
        %get3A_350 = arith.index_cast %get3A_349 : i32 to index
        %get3A_351 = arith.index_cast %scan3A_348 : i32 to index
        %get3A_352 = arith.constant 0 : index
        %get3A_353 = tpu.vector_load %arg7[%get3A_350, %get3A_351, %get3A_352] {strides = array<i32>} : memref<2x200x128xf32, #tpu.memory_space<vmem>>, vector<1x1x16xf32>,
        %get3A_354 = vector.shape_cast %get3A_353 : vector<1x1x16xf32> to vector<16xf32>
        %get3A_355 = arith.index_cast %scan3A_348 : i32 to index
        %get3A_356 = arith.constant 0 : index
        %get3A_357 = tpu.vector_load %arg9[%get3A_355, %get3A_356] {strides = array<i32>} : memref<200x64xf32, #tpu.memory_space<vmem>>, vector<1x16xf32>,
        %get3A_358 = vector.shape_cast %get3A_357 : vector<1x16xf32> to vector<16xf32>
        %add3A_359 = arith.addf %get3A_354, %get3A_358 : vector<16xf32>
        %swap3A_360 = arith.constant 1 : i32
        %swap3A_361 = arith.index_cast %swap3A_360 : i32 to index
        %swap3A_362 = arith.index_cast %scan3A_348 : i32 to index
        %swap3A_363 = arith.constant 0 : index
        %swap3A_364 = tpu.vector_load %arg8[%swap3A_361, %swap3A_362, %swap3A_363] {strides = array<i32>} : memref<2x200x64xf32, #tpu.memory_space<vmem>>, vector<1x1x16xf32>,
        %swap3A_365 = vector.shape_cast %swap3A_364 : vector<1x1x16xf32> to vector<16xf32>
        %swap3A_366 = vector.shape_cast %add3A_359 : vector<16xf32> to vector<1x1x16xf32>
        tpu.vector_store %arg8[%swap3A_361, %swap3A_362, %swap3A_363], %swap3A_366 {strides = array<i32>} : memref<2x200x64xf32, #tpu.memory_space<vmem>>, vector<1x1x16xf32>,
        %get3A_367 = arith.constant 1 : i32
        %get3A_368 = arith.index_cast %get3A_367 : i32 to index
        %get3A_369 = arith.index_cast %scan3A_348 : i32 to index
        %get3A_370 = arith.constant 16 : index
        %get3A_371 = tpu.vector_load %arg7[%get3A_368, %get3A_369, %get3A_370] {strides = array<i32>} : memref<2x200x128xf32, #tpu.memory_space<vmem>>, vector<1x1x16xf32>,
        %get3A_372 = vector.shape_cast %get3A_371 : vector<1x1x16xf32> to vector<16xf32>
        %get3A_373 = arith.index_cast %scan3A_348 : i32 to index
        %get3A_374 = arith.constant 16 : index
        %get3A_375 = tpu.vector_load %arg9[%get3A_373, %get3A_374] {strides = array<i32>} : memref<200x64xf32, #tpu.memory_space<vmem>>, vector<1x16xf32>,
        %get3A_376 = vector.shape_cast %get3A_375 : vector<1x16xf32> to vector<16xf32>
        %add3A_377 = arith.addf %get3A_372, %get3A_376 : vector<16xf32>
        %swap3A_378 = arith.constant 1 : i32
        %swap3A_379 = arith.index_cast %swap3A_378 : i32 to index
        %swap3A_380 = arith.index_cast %scan3A_348 : i32 to index
        %swap3A_381 = arith.constant 16 : index
        %swap3A_382 = tpu.vector_load %arg8[%swap3A_379, %swap3A_380, %swap3A_381] {strides = array<i32>} : memref<2x200x64xf32, #tpu.memory_space<vmem>>, vector<1x1x16xf32>,
        %swap3A_383 = vector.shape_cast %swap3A_382 : vector<1x1x16xf32> to vector<16xf32>
        %swap3A_384 = vector.shape_cast %add3A_377 : vector<16xf32> to vector<1x1x16xf32>
        tpu.vector_store %arg8[%swap3A_379, %swap3A_380, %swap3A_381], %swap3A_384 {strides = array<i32>} : memref<2x200x64xf32, #tpu.memory_space<vmem>>, vector<1x1x16xf32>,
        %get3A_385 = arith.constant 1 : i32
        %get3A_386 = arith.index_cast %get3A_385 : i32 to index
        %get3A_387 = arith.index_cast %scan3A_348 : i32 to index
        %get3A_388 = arith.constant 32 : index
        %get3A_389 = tpu.vector_load %arg7[%get3A_386, %get3A_387, %get3A_388] {strides = array<i32>} : memref<2x200x128xf32, #tpu.memory_space<vmem>>, vector<1x1x16xf32>,
        %get3A_390 = vector.shape_cast %get3A_389 : vector<1x1x16xf32> to vector<16xf32>
        %get3A_391 = arith.index_cast %scan3A_348 : i32 to index
        %get3A_392 = arith.constant 32 : index
        %get3A_393 = tpu.vector_load %arg9[%get3A_391, %get3A_392] {strides = array<i32>} : memref<200x64xf32, #tpu.memory_space<vmem>>, vector<1x16xf32>,
        %get3A_394 = vector.shape_cast %get3A_393 : vector<1x16xf32> to vector<16xf32>
        %add3A_395 = arith.addf %get3A_390, %get3A_394 : vector<16xf32>
        %swap3A_396 = arith.constant 1 : i32
        %swap3A_397 = arith.index_cast %swap3A_396 : i32 to index
        %swap3A_398 = arith.index_cast %scan3A_348 : i32 to index
        %swap3A_399 = arith.constant 32 : index
        %swap3A_400 = tpu.vector_load %arg8[%swap3A_397, %swap3A_398, %swap3A_399] {strides = array<i32>} : memref<2x200x64xf32, #tpu.memory_space<vmem>>, vector<1x1x16xf32>,
        %swap3A_401 = vector.shape_cast %swap3A_400 : vector<1x1x16xf32> to vector<16xf32>
        %swap3A_402 = vector.shape_cast %add3A_395 : vector<16xf32> to vector<1x1x16xf32>
        tpu.vector_store %arg8[%swap3A_397, %swap3A_398, %swap3A_399], %swap3A_402 {strides = array<i32>} : memref<2x200x64xf32, #tpu.memory_space<vmem>>, vector<1x1x16xf32>,
        %get3A_403 = arith.constant 1 : i32
        %get3A_404 = arith.index_cast %get3A_403 : i32 to index
        %get3A_405 = arith.index_cast %scan3A_348 : i32 to index
        %get3A_406 = arith.constant 48 : index
        %get3A_407 = tpu.vector_load %arg7[%get3A_404, %get3A_405, %get3A_406] {strides = array<i32>} : memref<2x200x128xf32, #tpu.memory_space<vmem>>, vector<1x1x16xf32>,
        %get3A_408 = vector.shape_cast %get3A_407 : vector<1x1x16xf32> to vector<16xf32>
        %get3A_409 = arith.index_cast %scan3A_348 : i32 to index
        %get3A_410 = arith.constant 48 : index
        %get3A_411 = tpu.vector_load %arg9[%get3A_409, %get3A_410] {strides = array<i32>} : memref<200x64xf32, #tpu.memory_space<vmem>>, vector<1x16xf32>,
        %get3A_412 = vector.shape_cast %get3A_411 : vector<1x16xf32> to vector<16xf32>
        %add3A_413 = arith.addf %get3A_408, %get3A_412 : vector<16xf32>
        %swap3A_414 = arith.constant 1 : i32
        %swap3A_415 = arith.index_cast %swap3A_414 : i32 to index
        %swap3A_416 = arith.index_cast %scan3A_348 : i32 to index
        %swap3A_417 = arith.constant 48 : index
        %swap3A_418 = tpu.vector_load %arg8[%swap3A_415, %swap3A_416, %swap3A_417] {strides = array<i32>} : memref<2x200x64xf32, #tpu.memory_space<vmem>>, vector<1x1x16xf32>,
        %swap3A_419 = vector.shape_cast %swap3A_418 : vector<1x1x16xf32> to vector<16xf32>
        %swap3A_420 = vector.shape_cast %add3A_413 : vector<16xf32> to vector<1x1x16xf32>
        tpu.vector_store %arg8[%swap3A_415, %swap3A_416, %swap3A_417], %swap3A_420 {strides = array<i32>} : memref<2x200x64xf32, #tpu.memory_space<vmem>>, vector<1x1x16xf32>,
        %scan3A_421 = arith.constant 3 : i32
        %scan3A_422 = arith.addi %scan3A_202, %scan3A_421 : i32
        %get3A_423 = arith.constant 1 : i32
        %get3A_424 = arith.index_cast %get3A_423 : i32 to index
        %get3A_425 = arith.index_cast %scan3A_422 : i32 to index
        %get3A_426 = arith.constant 0 : index
        %get3A_427 = tpu.vector_load %arg7[%get3A_424, %get3A_425, %get3A_426] {strides = array<i32>} : memref<2x200x128xf32, #tpu.memory_space<vmem>>, vector<1x1x16xf32>,
        %get3A_428 = vector.shape_cast %get3A_427 : vector<1x1x16xf32> to vector<16xf32>
        %get3A_429 = arith.index_cast %scan3A_422 : i32 to index
        %get3A_430 = arith.constant 0 : index
        %get3A_431 = tpu.vector_load %arg9[%get3A_429, %get3A_430] {strides = array<i32>} : memref<200x64xf32, #tpu.memory_space<vmem>>, vector<1x16xf32>,
        %get3A_432 = vector.shape_cast %get3A_431 : vector<1x16xf32> to vector<16xf32>
        %add3A_433 = arith.addf %get3A_428, %get3A_432 : vector<16xf32>
        %swap3A_434 = arith.constant 1 : i32
        %swap3A_435 = arith.index_cast %swap3A_434 : i32 to index
        %swap3A_436 = arith.index_cast %scan3A_422 : i32 to index
        %swap3A_437 = arith.constant 0 : index
        %swap3A_438 = tpu.vector_load %arg8[%swap3A_435, %swap3A_436, %swap3A_437] {strides = array<i32>} : memref<2x200x64xf32, #tpu.memory_space<vmem>>, vector<1x1x16xf32>,
        %swap3A_439 = vector.shape_cast %swap3A_438 : vector<1x1x16xf32> to vector<16xf32>
        %swap3A_440 = vector.shape_cast %add3A_433 : vector<16xf32> to vector<1x1x16xf32>
        tpu.vector_store %arg8[%swap3A_435, %swap3A_436, %swap3A_437], %swap3A_440 {strides = array<i32>} : memref<2x200x64xf32, #tpu.memory_space<vmem>>, vector<1x1x16xf32>,
        %get3A_441 = arith.constant 1 : i32
        %get3A_442 = arith.index_cast %get3A_441 : i32 to index
        %get3A_443 = arith.index_cast %scan3A_422 : i32 to index
        %get3A_444 = arith.constant 16 : index
        %get3A_445 = tpu.vector_load %arg7[%get3A_442, %get3A_443, %get3A_444] {strides = array<i32>} : memref<2x200x128xf32, #tpu.memory_space<vmem>>, vector<1x1x16xf32>,
        %get3A_446 = vector.shape_cast %get3A_445 : vector<1x1x16xf32> to vector<16xf32>
        %get3A_447 = arith.index_cast %scan3A_422 : i32 to index
        %get3A_448 = arith.constant 16 : index
        %get3A_449 = tpu.vector_load %arg9[%get3A_447, %get3A_448] {strides = array<i32>} : memref<200x64xf32, #tpu.memory_space<vmem>>, vector<1x16xf32>,
        %get3A_450 = vector.shape_cast %get3A_449 : vector<1x16xf32> to vector<16xf32>
        %add3A_451 = arith.addf %get3A_446, %get3A_450 : vector<16xf32>
        %swap3A_452 = arith.constant 1 : i32
        %swap3A_453 = arith.index_cast %swap3A_452 : i32 to index
        %swap3A_454 = arith.index_cast %scan3A_422 : i32 to index
        %swap3A_455 = arith.constant 16 : index
        %swap3A_456 = tpu.vector_load %arg8[%swap3A_453, %swap3A_454, %swap3A_455] {strides = array<i32>} : memref<2x200x64xf32, #tpu.memory_space<vmem>>, vector<1x1x16xf32>,
        %swap3A_457 = vector.shape_cast %swap3A_456 : vector<1x1x16xf32> to vector<16xf32>
        %swap3A_458 = vector.shape_cast %add3A_451 : vector<16xf32> to vector<1x1x16xf32>
        tpu.vector_store %arg8[%swap3A_453, %swap3A_454, %swap3A_455], %swap3A_458 {strides = array<i32>} : memref<2x200x64xf32, #tpu.memory_space<vmem>>, vector<1x1x16xf32>,
        %get3A_459 = arith.constant 1 : i32
        %get3A_460 = arith.index_cast %get3A_459 : i32 to index
        %get3A_461 = arith.index_cast %scan3A_422 : i32 to index
        %get3A_462 = arith.constant 32 : index
        %get3A_463 = tpu.vector_load %arg7[%get3A_460, %get3A_461, %get3A_462] {strides = array<i32>} : memref<2x200x128xf32, #tpu.memory_space<vmem>>, vector<1x1x16xf32>,
        %get3A_464 = vector.shape_cast %get3A_463 : vector<1x1x16xf32> to vector<16xf32>
        %get3A_465 = arith.index_cast %scan3A_422 : i32 to index
        %get3A_466 = arith.constant 32 : index
        %get3A_467 = tpu.vector_load %arg9[%get3A_465, %get3A_466] {strides = array<i32>} : memref<200x64xf32, #tpu.memory_space<vmem>>, vector<1x16xf32>,
        %get3A_468 = vector.shape_cast %get3A_467 : vector<1x16xf32> to vector<16xf32>
        %add3A_469 = arith.addf %get3A_464, %get3A_468 : vector<16xf32>
        %swap3A_470 = arith.constant 1 : i32
        %swap3A_471 = arith.index_cast %swap3A_470 : i32 to index
        %swap3A_472 = arith.index_cast %scan3A_422 : i32 to index
        %swap3A_473 = arith.constant 32 : index
        %swap3A_474 = tpu.vector_load %arg8[%swap3A_471, %swap3A_472, %swap3A_473] {strides = array<i32>} : memref<2x200x64xf32, #tpu.memory_space<vmem>>, vector<1x1x16xf32>,
        %swap3A_475 = vector.shape_cast %swap3A_474 : vector<1x1x16xf32> to vector<16xf32>
        %swap3A_476 = vector.shape_cast %add3A_469 : vector<16xf32> to vector<1x1x16xf32>
        tpu.vector_store %arg8[%swap3A_471, %swap3A_472, %swap3A_473], %swap3A_476 {strides = array<i32>} : memref<2x200x64xf32, #tpu.memory_space<vmem>>, vector<1x1x16xf32>,
        %get3A_477 = arith.constant 1 : i32
        %get3A_478 = arith.index_cast %get3A_477 : i32 to index
        %get3A_479 = arith.index_cast %scan3A_422 : i32 to index
        %get3A_480 = arith.constant 48 : index
        %get3A_481 = tpu.vector_load %arg7[%get3A_478, %get3A_479, %get3A_480] {strides = array<i32>} : memref<2x200x128xf32, #tpu.memory_space<vmem>>, vector<1x1x16xf32>,
        %get3A_482 = vector.shape_cast %get3A_481 : vector<1x1x16xf32> to vector<16xf32>
        %get3A_483 = arith.index_cast %scan3A_422 : i32 to index
        %get3A_484 = arith.constant 48 : index
        %get3A_485 = tpu.vector_load %arg9[%get3A_483, %get3A_484] {strides = array<i32>} : memref<200x64xf32, #tpu.memory_space<vmem>>, vector<1x16xf32>,
        %get3A_486 = vector.shape_cast %get3A_485 : vector<1x16xf32> to vector<16xf32>
        %add3A_487 = arith.addf %get3A_482, %get3A_486 : vector<16xf32>
        %swap3A_488 = arith.constant 1 : i32
        %swap3A_489 = arith.index_cast %swap3A_488 : i32 to index
        %swap3A_490 = arith.index_cast %scan3A_422 : i32 to index
        %swap3A_491 = arith.constant 48 : index
        %swap3A_492 = tpu.vector_load %arg8[%swap3A_489, %swap3A_490, %swap3A_491] {strides = array<i32>} : memref<2x200x64xf32, #tpu.memory_space<vmem>>, vector<1x1x16xf32>,
        %swap3A_493 = vector.shape_cast %swap3A_492 : vector<1x1x16xf32> to vector<16xf32>
        %swap3A_494 = vector.shape_cast %add3A_487 : vector<16xf32> to vector<1x1x16xf32>
        tpu.vector_store %arg8[%swap3A_489, %swap3A_490, %swap3A_491], %swap3A_494 {strides = array<i32>} : memref<2x200x64xf32, #tpu.memory_space<vmem>>, vector<1x1x16xf32>,
        %scan3A_495 = arith.constant 4 : i32
        %scan3A_496 = arith.addi %scan3A_202, %scan3A_495 : i32
        %get3A_497 = arith.constant 1 : i32
        %get3A_498 = arith.index_cast %get3A_497 : i32 to index
        %get3A_499 = arith.index_cast %scan3A_496 : i32 to index
        %get3A_500 = arith.constant 0 : index
        %get3A_501 = tpu.vector_load %arg7[%get3A_498, %get3A_499, %get3A_500] {strides = array<i32>} : memref<2x200x128xf32, #tpu.memory_space<vmem>>, vector<1x1x16xf32>,
        %get3A_502 = vector.shape_cast %get3A_501 : vector<1x1x16xf32> to vector<16xf32>
        %get3A_503 = arith.index_cast %scan3A_496 : i32 to index
        %get3A_504 = arith.constant 0 : index
        %get3A_505 = tpu.vector_load %arg9[%get3A_503, %get3A_504] {strides = array<i32>} : memref<200x64xf32, #tpu.memory_space<vmem>>, vector<1x16xf32>,
        %get3A_506 = vector.shape_cast %get3A_505 : vector<1x16xf32> to vector<16xf32>
        %add3A_507 = arith.addf %get3A_502, %get3A_506 : vector<16xf32>
        %swap3A_508 = arith.constant 1 : i32
        %swap3A_509 = arith.index_cast %swap3A_508 : i32 to index
        %swap3A_510 = arith.index_cast %scan3A_496 : i32 to index
        %swap3A_511 = arith.constant 0 : index
        %swap3A_512 = tpu.vector_load %arg8[%swap3A_509, %swap3A_510, %swap3A_511] {strides = array<i32>} : memref<2x200x64xf32, #tpu.memory_space<vmem>>, vector<1x1x16xf32>,
        %swap3A_513 = vector.shape_cast %swap3A_512 : vector<1x1x16xf32> to vector<16xf32>
        %swap3A_514 = vector.shape_cast %add3A_507 : vector<16xf32> to vector<1x1x16xf32>
        tpu.vector_store %arg8[%swap3A_509, %swap3A_510, %swap3A_511], %swap3A_514 {strides = array<i32>} : memref<2x200x64xf32, #tpu.memory_space<vmem>>, vector<1x1x16xf32>,
        %get3A_515 = arith.constant 1 : i32
        %get3A_516 = arith.index_cast %get3A_515 : i32 to index
        %get3A_517 = arith.index_cast %scan3A_496 : i32 to index
        %get3A_518 = arith.constant 16 : index
        %get3A_519 = tpu.vector_load %arg7[%get3A_516, %get3A_517, %get3A_518] {strides = array<i32>} : memref<2x200x128xf32, #tpu.memory_space<vmem>>, vector<1x1x16xf32>,
        %get3A_520 = vector.shape_cast %get3A_519 : vector<1x1x16xf32> to vector<16xf32>
        %get3A_521 = arith.index_cast %scan3A_496 : i32 to index
        %get3A_522 = arith.constant 16 : index
        %get3A_523 = tpu.vector_load %arg9[%get3A_521, %get3A_522] {strides = array<i32>} : memref<200x64xf32, #tpu.memory_space<vmem>>, vector<1x16xf32>,
        %get3A_524 = vector.shape_cast %get3A_523 : vector<1x16xf32> to vector<16xf32>
        %add3A_525 = arith.addf %get3A_520, %get3A_524 : vector<16xf32>
        %swap3A_526 = arith.constant 1 : i32
        %swap3A_527 = arith.index_cast %swap3A_526 : i32 to index
        %swap3A_528 = arith.index_cast %scan3A_496 : i32 to index
        %swap3A_529 = arith.constant 16 : index
        %swap3A_530 = tpu.vector_load %arg8[%swap3A_527, %swap3A_528, %swap3A_529] {strides = array<i32>} : memref<2x200x64xf32, #tpu.memory_space<vmem>>, vector<1x1x16xf32>,
        %swap3A_531 = vector.shape_cast %swap3A_530 : vector<1x1x16xf32> to vector<16xf32>
        %swap3A_532 = vector.shape_cast %add3A_525 : vector<16xf32> to vector<1x1x16xf32>
        tpu.vector_store %arg8[%swap3A_527, %swap3A_528, %swap3A_529], %swap3A_532 {strides = array<i32>} : memref<2x200x64xf32, #tpu.memory_space<vmem>>, vector<1x1x16xf32>,
        %get3A_533 = arith.constant 1 : i32
        %get3A_534 = arith.index_cast %get3A_533 : i32 to index
        %get3A_535 = arith.index_cast %scan3A_496 : i32 to index
        %get3A_536 = arith.constant 32 : index
        %get3A_537 = tpu.vector_load %arg7[%get3A_534, %get3A_535, %get3A_536] {strides = array<i32>} : memref<2x200x128xf32, #tpu.memory_space<vmem>>, vector<1x1x16xf32>,
        %get3A_538 = vector.shape_cast %get3A_537 : vector<1x1x16xf32> to vector<16xf32>
        %get3A_539 = arith.index_cast %scan3A_496 : i32 to index
        %get3A_540 = arith.constant 32 : index
        %get3A_541 = tpu.vector_load %arg9[%get3A_539, %get3A_540] {strides = array<i32>} : memref<200x64xf32, #tpu.memory_space<vmem>>, vector<1x16xf32>,
        %get3A_542 = vector.shape_cast %get3A_541 : vector<1x16xf32> to vector<16xf32>
        %add3A_543 = arith.addf %get3A_538, %get3A_542 : vector<16xf32>
        %swap3A_544 = arith.constant 1 : i32
        %swap3A_545 = arith.index_cast %swap3A_544 : i32 to index
        %swap3A_546 = arith.index_cast %scan3A_496 : i32 to index
        %swap3A_547 = arith.constant 32 : index
        %swap3A_548 = tpu.vector_load %arg8[%swap3A_545, %swap3A_546, %swap3A_547] {strides = array<i32>} : memref<2x200x64xf32, #tpu.memory_space<vmem>>, vector<1x1x16xf32>,
        %swap3A_549 = vector.shape_cast %swap3A_548 : vector<1x1x16xf32> to vector<16xf32>
        %swap3A_550 = vector.shape_cast %add3A_543 : vector<16xf32> to vector<1x1x16xf32>
        tpu.vector_store %arg8[%swap3A_545, %swap3A_546, %swap3A_547], %swap3A_550 {strides = array<i32>} : memref<2x200x64xf32, #tpu.memory_space<vmem>>, vector<1x1x16xf32>,
        %get3A_551 = arith.constant 1 : i32
        %get3A_552 = arith.index_cast %get3A_551 : i32 to index
        %get3A_553 = arith.index_cast %scan3A_496 : i32 to index
        %get3A_554 = arith.constant 48 : index
        %get3A_555 = tpu.vector_load %arg7[%get3A_552, %get3A_553, %get3A_554] {strides = array<i32>} : memref<2x200x128xf32, #tpu.memory_space<vmem>>, vector<1x1x16xf32>,
        %get3A_556 = vector.shape_cast %get3A_555 : vector<1x1x16xf32> to vector<16xf32>
        %get3A_557 = arith.index_cast %scan3A_496 : i32 to index
        %get3A_558 = arith.constant 48 : index
        %get3A_559 = tpu.vector_load %arg9[%get3A_557, %get3A_558] {strides = array<i32>} : memref<200x64xf32, #tpu.memory_space<vmem>>, vector<1x16xf32>,
        %get3A_560 = vector.shape_cast %get3A_559 : vector<1x16xf32> to vector<16xf32>
        %add3A_561 = arith.addf %get3A_556, %get3A_560 : vector<16xf32>
        %swap3A_562 = arith.constant 1 : i32
        %swap3A_563 = arith.index_cast %swap3A_562 : i32 to index
        %swap3A_564 = arith.index_cast %scan3A_496 : i32 to index
        %swap3A_565 = arith.constant 48 : index
        %swap3A_566 = tpu.vector_load %arg8[%swap3A_563, %swap3A_564, %swap3A_565] {strides = array<i32>} : memref<2x200x64xf32, #tpu.memory_space<vmem>>, vector<1x1x16xf32>,
        %swap3A_567 = vector.shape_cast %swap3A_566 : vector<1x1x16xf32> to vector<16xf32>
        %swap3A_568 = vector.shape_cast %add3A_561 : vector<16xf32> to vector<1x1x16xf32>
        tpu.vector_store %arg8[%swap3A_563, %swap3A_564, %swap3A_565], %swap3A_568 {strides = array<i32>} : memref<2x200x64xf32, #tpu.memory_space<vmem>>, vector<1x1x16xf32>,
        %scan3A_569 = arith.constant 5 : i32
        %scan3A_570 = arith.addi %scan3A_202, %scan3A_569 : i32
        %get3A_571 = arith.constant 1 : i32
        %get3A_572 = arith.index_cast %get3A_571 : i32 to index
        %get3A_573 = arith.index_cast %scan3A_570 : i32 to index
        %get3A_574 = arith.constant 0 : index
        %get3A_575 = tpu.vector_load %arg7[%get3A_572, %get3A_573, %get3A_574] {strides = array<i32>} : memref<2x200x128xf32, #tpu.memory_space<vmem>>, vector<1x1x16xf32>,
        %get3A_576 = vector.shape_cast %get3A_575 : vector<1x1x16xf32> to vector<16xf32>
        %get3A_577 = arith.index_cast %scan3A_570 : i32 to index
        %get3A_578 = arith.constant 0 : index
        %get3A_579 = tpu.vector_load %arg9[%get3A_577, %get3A_578] {strides = array<i32>} : memref<200x64xf32, #tpu.memory_space<vmem>>, vector<1x16xf32>,
        %get3A_580 = vector.shape_cast %get3A_579 : vector<1x16xf32> to vector<16xf32>
        %add3A_581 = arith.addf %get3A_576, %get3A_580 : vector<16xf32>
        %swap3A_582 = arith.constant 1 : i32
        %swap3A_583 = arith.index_cast %swap3A_582 : i32 to index
        %swap3A_584 = arith.index_cast %scan3A_570 : i32 to index
        %swap3A_585 = arith.constant 0 : index
        %swap3A_586 = tpu.vector_load %arg8[%swap3A_583, %swap3A_584, %swap3A_585] {strides = array<i32>} : memref<2x200x64xf32, #tpu.memory_space<vmem>>, vector<1x1x16xf32>,
        %swap3A_587 = vector.shape_cast %swap3A_586 : vector<1x1x16xf32> to vector<16xf32>
        %swap3A_588 = vector.shape_cast %add3A_581 : vector<16xf32> to vector<1x1x16xf32>
        tpu.vector_store %arg8[%swap3A_583, %swap3A_584, %swap3A_585], %swap3A_588 {strides = array<i32>} : memref<2x200x64xf32, #tpu.memory_space<vmem>>, vector<1x1x16xf32>,
        %get3A_589 = arith.constant 1 : i32
        %get3A_590 = arith.index_cast %get3A_589 : i32 to index
        %get3A_591 = arith.index_cast %scan3A_570 : i32 to index
        %get3A_592 = arith.constant 16 : index
        %get3A_593 = tpu.vector_load %arg7[%get3A_590, %get3A_591, %get3A_592] {strides = array<i32>} : memref<2x200x128xf32, #tpu.memory_space<vmem>>, vector<1x1x16xf32>,
        %get3A_594 = vector.shape_cast %get3A_593 : vector<1x1x16xf32> to vector<16xf32>
        %get3A_595 = arith.index_cast %scan3A_570 : i32 to index
        %get3A_596 = arith.constant 16 : index
        %get3A_597 = tpu.vector_load %arg9[%get3A_595, %get3A_596] {strides = array<i32>} : memref<200x64xf32, #tpu.memory_space<vmem>>, vector<1x16xf32>,
        %get3A_598 = vector.shape_cast %get3A_597 : vector<1x16xf32> to vector<16xf32>
        %add3A_599 = arith.addf %get3A_594, %get3A_598 : vector<16xf32>
        %swap3A_600 = arith.constant 1 : i32
        %swap3A_601 = arith.index_cast %swap3A_600 : i32 to index
        %swap3A_602 = arith.index_cast %scan3A_570 : i32 to index
        %swap3A_603 = arith.constant 16 : index
        %swap3A_604 = tpu.vector_load %arg8[%swap3A_601, %swap3A_602, %swap3A_603] {strides = array<i32>} : memref<2x200x64xf32, #tpu.memory_space<vmem>>, vector<1x1x16xf32>,
        %swap3A_605 = vector.shape_cast %swap3A_604 : vector<1x1x16xf32> to vector<16xf32>
        %swap3A_606 = vector.shape_cast %add3A_599 : vector<16xf32> to vector<1x1x16xf32>
        tpu.vector_store %arg8[%swap3A_601, %swap3A_602, %swap3A_603], %swap3A_606 {strides = array<i32>} : memref<2x200x64xf32, #tpu.memory_space<vmem>>, vector<1x1x16xf32>,
        %get3A_607 = arith.constant 1 : i32
        %get3A_608 = arith.index_cast %get3A_607 : i32 to index
        %get3A_609 = arith.index_cast %scan3A_570 : i32 to index
        %get3A_610 = arith.constant 32 : index
        %get3A_611 = tpu.vector_load %arg7[%get3A_608, %get3A_609, %get3A_610] {strides = array<i32>} : memref<2x200x128xf32, #tpu.memory_space<vmem>>, vector<1x1x16xf32>,
        %get3A_612 = vector.shape_cast %get3A_611 : vector<1x1x16xf32> to vector<16xf32>
        %get3A_613 = arith.index_cast %scan3A_570 : i32 to index
        %get3A_614 = arith.constant 32 : index
        %get3A_615 = tpu.vector_load %arg9[%get3A_613, %get3A_614] {strides = array<i32>} : memref<200x64xf32, #tpu.memory_space<vmem>>, vector<1x16xf32>,
        %get3A_616 = vector.shape_cast %get3A_615 : vector<1x16xf32> to vector<16xf32>
        %add3A_617 = arith.addf %get3A_612, %get3A_616 : vector<16xf32>
        %swap3A_618 = arith.constant 1 : i32
        %swap3A_619 = arith.index_cast %swap3A_618 : i32 to index
        %swap3A_620 = arith.index_cast %scan3A_570 : i32 to index
        %swap3A_621 = arith.constant 32 : index
        %swap3A_622 = tpu.vector_load %arg8[%swap3A_619, %swap3A_620, %swap3A_621] {strides = array<i32>} : memref<2x200x64xf32, #tpu.memory_space<vmem>>, vector<1x1x16xf32>,
        %swap3A_623 = vector.shape_cast %swap3A_622 : vector<1x1x16xf32> to vector<16xf32>
        %swap3A_624 = vector.shape_cast %add3A_617 : vector<16xf32> to vector<1x1x16xf32>
        tpu.vector_store %arg8[%swap3A_619, %swap3A_620, %swap3A_621], %swap3A_624 {strides = array<i32>} : memref<2x200x64xf32, #tpu.memory_space<vmem>>, vector<1x1x16xf32>,
        %get3A_625 = arith.constant 1 : i32
        %get3A_626 = arith.index_cast %get3A_625 : i32 to index
        %get3A_627 = arith.index_cast %scan3A_570 : i32 to index
        %get3A_628 = arith.constant 48 : index
        %get3A_629 = tpu.vector_load %arg7[%get3A_626, %get3A_627, %get3A_628] {strides = array<i32>} : memref<2x200x128xf32, #tpu.memory_space<vmem>>, vector<1x1x16xf32>,
        %get3A_630 = vector.shape_cast %get3A_629 : vector<1x1x16xf32> to vector<16xf32>
        %get3A_631 = arith.index_cast %scan3A_570 : i32 to index
        %get3A_632 = arith.constant 48 : index
        %get3A_633 = tpu.vector_load %arg9[%get3A_631, %get3A_632] {strides = array<i32>} : memref<200x64xf32, #tpu.memory_space<vmem>>, vector<1x16xf32>,
        %get3A_634 = vector.shape_cast %get3A_633 : vector<1x16xf32> to vector<16xf32>
        %add3A_635 = arith.addf %get3A_630, %get3A_634 : vector<16xf32>
        %swap3A_636 = arith.constant 1 : i32
        %swap3A_637 = arith.index_cast %swap3A_636 : i32 to index
        %swap3A_638 = arith.index_cast %scan3A_570 : i32 to index
        %swap3A_639 = arith.constant 48 : index
        %swap3A_640 = tpu.vector_load %arg8[%swap3A_637, %swap3A_638, %swap3A_639] {strides = array<i32>} : memref<2x200x64xf32, #tpu.memory_space<vmem>>, vector<1x1x16xf32>,
        %swap3A_641 = vector.shape_cast %swap3A_640 : vector<1x1x16xf32> to vector<16xf32>
        %swap3A_642 = vector.shape_cast %add3A_635 : vector<16xf32> to vector<1x1x16xf32>
        tpu.vector_store %arg8[%swap3A_637, %swap3A_638, %swap3A_639], %swap3A_642 {strides = array<i32>} : memref<2x200x64xf32, #tpu.memory_space<vmem>>, vector<1x1x16xf32>,
        %scan3A_643 = arith.constant 6 : i32
        %scan3A_644 = arith.addi %scan3A_202, %scan3A_643 : i32
        %get3A_645 = arith.constant 1 : i32
        %get3A_646 = arith.index_cast %get3A_645 : i32 to index
        %get3A_647 = arith.index_cast %scan3A_644 : i32 to index
        %get3A_648 = arith.constant 0 : index
        %get3A_649 = tpu.vector_load %arg7[%get3A_646, %get3A_647, %get3A_648] {strides = array<i32>} : memref<2x200x128xf32, #tpu.memory_space<vmem>>, vector<1x1x16xf32>,
        %get3A_650 = vector.shape_cast %get3A_649 : vector<1x1x16xf32> to vector<16xf32>
        %get3A_651 = arith.index_cast %scan3A_644 : i32 to index
        %get3A_652 = arith.constant 0 : index
        %get3A_653 = tpu.vector_load %arg9[%get3A_651, %get3A_652] {strides = array<i32>} : memref<200x64xf32, #tpu.memory_space<vmem>>, vector<1x16xf32>,
        %get3A_654 = vector.shape_cast %get3A_653 : vector<1x16xf32> to vector<16xf32>
        %add3A_655 = arith.addf %get3A_650, %get3A_654 : vector<16xf32>
        %swap3A_656 = arith.constant 1 : i32
        %swap3A_657 = arith.index_cast %swap3A_656 : i32 to index
        %swap3A_658 = arith.index_cast %scan3A_644 : i32 to index
        %swap3A_659 = arith.constant 0 : index
        %swap3A_660 = tpu.vector_load %arg8[%swap3A_657, %swap3A_658, %swap3A_659] {strides = array<i32>} : memref<2x200x64xf32, #tpu.memory_space<vmem>>, vector<1x1x16xf32>,
        %swap3A_661 = vector.shape_cast %swap3A_660 : vector<1x1x16xf32> to vector<16xf32>
        %swap3A_662 = vector.shape_cast %add3A_655 : vector<16xf32> to vector<1x1x16xf32>
        tpu.vector_store %arg8[%swap3A_657, %swap3A_658, %swap3A_659], %swap3A_662 {strides = array<i32>} : memref<2x200x64xf32, #tpu.memory_space<vmem>>, vector<1x1x16xf32>,
        %get3A_663 = arith.constant 1 : i32
        %get3A_664 = arith.index_cast %get3A_663 : i32 to index
        %get3A_665 = arith.index_cast %scan3A_644 : i32 to index
        %get3A_666 = arith.constant 16 : index
        %get3A_667 = tpu.vector_load %arg7[%get3A_664, %get3A_665, %get3A_666] {strides = array<i32>} : memref<2x200x128xf32, #tpu.memory_space<vmem>>, vector<1x1x16xf32>,
        %get3A_668 = vector.shape_cast %get3A_667 : vector<1x1x16xf32> to vector<16xf32>
        %get3A_669 = arith.index_cast %scan3A_644 : i32 to index
        %get3A_670 = arith.constant 16 : index
        %get3A_671 = tpu.vector_load %arg9[%get3A_669, %get3A_670] {strides = array<i32>} : memref<200x64xf32, #tpu.memory_space<vmem>>, vector<1x16xf32>,
        %get3A_672 = vector.shape_cast %get3A_671 : vector<1x16xf32> to vector<16xf32>
        %add3A_673 = arith.addf %get3A_668, %get3A_672 : vector<16xf32>
        %swap3A_674 = arith.constant 1 : i32
        %swap3A_675 = arith.index_cast %swap3A_674 : i32 to index
        %swap3A_676 = arith.index_cast %scan3A_644 : i32 to index
        %swap3A_677 = arith.constant 16 : index
        %swap3A_678 = tpu.vector_load %arg8[%swap3A_675, %swap3A_676, %swap3A_677] {strides = array<i32>} : memref<2x200x64xf32, #tpu.memory_space<vmem>>, vector<1x1x16xf32>,
        %swap3A_679 = vector.shape_cast %swap3A_678 : vector<1x1x16xf32> to vector<16xf32>
        %swap3A_680 = vector.shape_cast %add3A_673 : vector<16xf32> to vector<1x1x16xf32>
        tpu.vector_store %arg8[%swap3A_675, %swap3A_676, %swap3A_677], %swap3A_680 {strides = array<i32>} : memref<2x200x64xf32, #tpu.memory_space<vmem>>, vector<1x1x16xf32>,
        %get3A_681 = arith.constant 1 : i32
        %get3A_682 = arith.index_cast %get3A_681 : i32 to index
        %get3A_683 = arith.index_cast %scan3A_644 : i32 to index
        %get3A_684 = arith.constant 32 : index
        %get3A_685 = tpu.vector_load %arg7[%get3A_682, %get3A_683, %get3A_684] {strides = array<i32>} : memref<2x200x128xf32, #tpu.memory_space<vmem>>, vector<1x1x16xf32>,
        %get3A_686 = vector.shape_cast %get3A_685 : vector<1x1x16xf32> to vector<16xf32>
        %get3A_687 = arith.index_cast %scan3A_644 : i32 to index
        %get3A_688 = arith.constant 32 : index
        %get3A_689 = tpu.vector_load %arg9[%get3A_687, %get3A_688] {strides = array<i32>} : memref<200x64xf32, #tpu.memory_space<vmem>>, vector<1x16xf32>,
        %get3A_690 = vector.shape_cast %get3A_689 : vector<1x16xf32> to vector<16xf32>
        %add3A_691 = arith.addf %get3A_686, %get3A_690 : vector<16xf32>
        %swap3A_692 = arith.constant 1 : i32
        %swap3A_693 = arith.index_cast %swap3A_692 : i32 to index
        %swap3A_694 = arith.index_cast %scan3A_644 : i32 to index
        %swap3A_695 = arith.constant 32 : index
        %swap3A_696 = tpu.vector_load %arg8[%swap3A_693, %swap3A_694, %swap3A_695] {strides = array<i32>} : memref<2x200x64xf32, #tpu.memory_space<vmem>>, vector<1x1x16xf32>,
        %swap3A_697 = vector.shape_cast %swap3A_696 : vector<1x1x16xf32> to vector<16xf32>
        %swap3A_698 = vector.shape_cast %add3A_691 : vector<16xf32> to vector<1x1x16xf32>
        tpu.vector_store %arg8[%swap3A_693, %swap3A_694, %swap3A_695], %swap3A_698 {strides = array<i32>} : memref<2x200x64xf32, #tpu.memory_space<vmem>>, vector<1x1x16xf32>,
        %get3A_699 = arith.constant 1 : i32
        %get3A_700 = arith.index_cast %get3A_699 : i32 to index
        %get3A_701 = arith.index_cast %scan3A_644 : i32 to index
        %get3A_702 = arith.constant 48 : index
        %get3A_703 = tpu.vector_load %arg7[%get3A_700, %get3A_701, %get3A_702] {strides = array<i32>} : memref<2x200x128xf32, #tpu.memory_space<vmem>>, vector<1x1x16xf32>,
        %get3A_704 = vector.shape_cast %get3A_703 : vector<1x1x16xf32> to vector<16xf32>
        %get3A_705 = arith.index_cast %scan3A_644 : i32 to index
        %get3A_706 = arith.constant 48 : index
        %get3A_707 = tpu.vector_load %arg9[%get3A_705, %get3A_706] {strides = array<i32>} : memref<200x64xf32, #tpu.memory_space<vmem>>, vector<1x16xf32>,
        %get3A_708 = vector.shape_cast %get3A_707 : vector<1x16xf32> to vector<16xf32>
        %add3A_709 = arith.addf %get3A_704, %get3A_708 : vector<16xf32>
        %swap3A_710 = arith.constant 1 : i32
        %swap3A_711 = arith.index_cast %swap3A_710 : i32 to index
        %swap3A_712 = arith.index_cast %scan3A_644 : i32 to index
        %swap3A_713 = arith.constant 48 : index
        %swap3A_714 = tpu.vector_load %arg8[%swap3A_711, %swap3A_712, %swap3A_713] {strides = array<i32>} : memref<2x200x64xf32, #tpu.memory_space<vmem>>, vector<1x1x16xf32>,
        %swap3A_715 = vector.shape_cast %swap3A_714 : vector<1x1x16xf32> to vector<16xf32>
        %swap3A_716 = vector.shape_cast %add3A_709 : vector<16xf32> to vector<1x1x16xf32>
        tpu.vector_store %arg8[%swap3A_711, %swap3A_712, %swap3A_713], %swap3A_716 {strides = array<i32>} : memref<2x200x64xf32, #tpu.memory_space<vmem>>, vector<1x1x16xf32>,
        %scan3A_717 = arith.constant 7 : i32
        %scan3A_718 = arith.addi %scan3A_202, %scan3A_717 : i32
        %get3A_719 = arith.constant 1 : i32
        %get3A_720 = arith.index_cast %get3A_719 : i32 to index
        %get3A_721 = arith.index_cast %scan3A_718 : i32 to index
        %get3A_722 = arith.constant 0 : index
        %get3A_723 = tpu.vector_load %arg7[%get3A_720, %get3A_721, %get3A_722] {strides = array<i32>} : memref<2x200x128xf32, #tpu.memory_space<vmem>>, vector<1x1x16xf32>,
        %get3A_724 = vector.shape_cast %get3A_723 : vector<1x1x16xf32> to vector<16xf32>
        %get3A_725 = arith.index_cast %scan3A_718 : i32 to index
        %get3A_726 = arith.constant 0 : index
        %get3A_727 = tpu.vector_load %arg9[%get3A_725, %get3A_726] {strides = array<i32>} : memref<200x64xf32, #tpu.memory_space<vmem>>, vector<1x16xf32>,
        %get3A_728 = vector.shape_cast %get3A_727 : vector<1x16xf32> to vector<16xf32>
        %add3A_729 = arith.addf %get3A_724, %get3A_728 : vector<16xf32>
        %swap3A_730 = arith.constant 1 : i32
        %swap3A_731 = arith.index_cast %swap3A_730 : i32 to index
        %swap3A_732 = arith.index_cast %scan3A_718 : i32 to index
        %swap3A_733 = arith.constant 0 : index
        %swap3A_734 = tpu.vector_load %arg8[%swap3A_731, %swap3A_732, %swap3A_733] {strides = array<i32>} : memref<2x200x64xf32, #tpu.memory_space<vmem>>, vector<1x1x16xf32>,
        %swap3A_735 = vector.shape_cast %swap3A_734 : vector<1x1x16xf32> to vector<16xf32>
        %swap3A_736 = vector.shape_cast %add3A_729 : vector<16xf32> to vector<1x1x16xf32>
        tpu.vector_store %arg8[%swap3A_731, %swap3A_732, %swap3A_733], %swap3A_736 {strides = array<i32>} : memref<2x200x64xf32, #tpu.memory_space<vmem>>, vector<1x1x16xf32>,
        %get3A_737 = arith.constant 1 : i32
        %get3A_738 = arith.index_cast %get3A_737 : i32 to index
        %get3A_739 = arith.index_cast %scan3A_718 : i32 to index
        %get3A_740 = arith.constant 16 : index
        %get3A_741 = tpu.vector_load %arg7[%get3A_738, %get3A_739, %get3A_740] {strides = array<i32>} : memref<2x200x128xf32, #tpu.memory_space<vmem>>, vector<1x1x16xf32>,
        %get3A_742 = vector.shape_cast %get3A_741 : vector<1x1x16xf32> to vector<16xf32>
        %get3A_743 = arith.index_cast %scan3A_718 : i32 to index
        %get3A_744 = arith.constant 16 : index
        %get3A_745 = tpu.vector_load %arg9[%get3A_743, %get3A_744] {strides = array<i32>} : memref<200x64xf32, #tpu.memory_space<vmem>>, vector<1x16xf32>,
        %get3A_746 = vector.shape_cast %get3A_745 : vector<1x16xf32> to vector<16xf32>
        %add3A_747 = arith.addf %get3A_742, %get3A_746 : vector<16xf32>
        %swap3A_748 = arith.constant 1 : i32
        %swap3A_749 = arith.index_cast %swap3A_748 : i32 to index
        %swap3A_750 = arith.index_cast %scan3A_718 : i32 to index
        %swap3A_751 = arith.constant 16 : index
        %swap3A_752 = tpu.vector_load %arg8[%swap3A_749, %swap3A_750, %swap3A_751] {strides = array<i32>} : memref<2x200x64xf32, #tpu.memory_space<vmem>>, vector<1x1x16xf32>,
        %swap3A_753 = vector.shape_cast %swap3A_752 : vector<1x1x16xf32> to vector<16xf32>
        %swap3A_754 = vector.shape_cast %add3A_747 : vector<16xf32> to vector<1x1x16xf32>
        tpu.vector_store %arg8[%swap3A_749, %swap3A_750, %swap3A_751], %swap3A_754 {strides = array<i32>} : memref<2x200x64xf32, #tpu.memory_space<vmem>>, vector<1x1x16xf32>,
        %get3A_755 = arith.constant 1 : i32
        %get3A_756 = arith.index_cast %get3A_755 : i32 to index
        %get3A_757 = arith.index_cast %scan3A_718 : i32 to index
        %get3A_758 = arith.constant 32 : index
        %get3A_759 = tpu.vector_load %arg7[%get3A_756, %get3A_757, %get3A_758] {strides = array<i32>} : memref<2x200x128xf32, #tpu.memory_space<vmem>>, vector<1x1x16xf32>,
        %get3A_760 = vector.shape_cast %get3A_759 : vector<1x1x16xf32> to vector<16xf32>
        %get3A_761 = arith.index_cast %scan3A_718 : i32 to index
        %get3A_762 = arith.constant 32 : index
        %get3A_763 = tpu.vector_load %arg9[%get3A_761, %get3A_762] {strides = array<i32>} : memref<200x64xf32, #tpu.memory_space<vmem>>, vector<1x16xf32>,
        %get3A_764 = vector.shape_cast %get3A_763 : vector<1x16xf32> to vector<16xf32>
        %add3A_765 = arith.addf %get3A_760, %get3A_764 : vector<16xf32>
        %swap3A_766 = arith.constant 1 : i32
        %swap3A_767 = arith.index_cast %swap3A_766 : i32 to index
        %swap3A_768 = arith.index_cast %scan3A_718 : i32 to index
        %swap3A_769 = arith.constant 32 : index
        %swap3A_770 = tpu.vector_load %arg8[%swap3A_767, %swap3A_768, %swap3A_769] {strides = array<i32>} : memref<2x200x64xf32, #tpu.memory_space<vmem>>, vector<1x1x16xf32>,
        %swap3A_771 = vector.shape_cast %swap3A_770 : vector<1x1x16xf32> to vector<16xf32>
        %swap3A_772 = vector.shape_cast %add3A_765 : vector<16xf32> to vector<1x1x16xf32>
        tpu.vector_store %arg8[%swap3A_767, %swap3A_768, %swap3A_769], %swap3A_772 {strides = array<i32>} : memref<2x200x64xf32, #tpu.memory_space<vmem>>, vector<1x1x16xf32>,
        %get3A_773 = arith.constant 1 : i32
        %get3A_774 = arith.index_cast %get3A_773 : i32 to index
        %get3A_775 = arith.index_cast %scan3A_718 : i32 to index
        %get3A_776 = arith.constant 48 : index
        %get3A_777 = tpu.vector_load %arg7[%get3A_774, %get3A_775, %get3A_776] {strides = array<i32>} : memref<2x200x128xf32, #tpu.memory_space<vmem>>, vector<1x1x16xf32>,
        %get3A_778 = vector.shape_cast %get3A_777 : vector<1x1x16xf32> to vector<16xf32>
        %get3A_779 = arith.index_cast %scan3A_718 : i32 to index
        %get3A_780 = arith.constant 48 : index
        %get3A_781 = tpu.vector_load %arg9[%get3A_779, %get3A_780] {strides = array<i32>} : memref<200x64xf32, #tpu.memory_space<vmem>>, vector<1x16xf32>,
        %get3A_782 = vector.shape_cast %get3A_781 : vector<1x16xf32> to vector<16xf32>
        %add3A_783 = arith.addf %get3A_778, %get3A_782 : vector<16xf32>
        %swap3A_784 = arith.constant 1 : i32
        %swap3A_785 = arith.index_cast %swap3A_784 : i32 to index
        %swap3A_786 = arith.index_cast %scan3A_718 : i32 to index
        %swap3A_787 = arith.constant 48 : index
        %swap3A_788 = tpu.vector_load %arg8[%swap3A_785, %swap3A_786, %swap3A_787] {strides = array<i32>} : memref<2x200x64xf32, #tpu.memory_space<vmem>>, vector<1x1x16xf32>,
        %swap3A_789 = vector.shape_cast %swap3A_788 : vector<1x1x16xf32> to vector<16xf32>
        %swap3A_790 = vector.shape_cast %add3A_783 : vector<16xf32> to vector<1x1x16xf32>
        tpu.vector_store %arg8[%swap3A_785, %swap3A_786, %swap3A_787], %swap3A_790 {strides = array<i32>} : memref<2x200x64xf32, #tpu.memory_space<vmem>>, vector<1x1x16xf32>,
      }
      %scan3A_176 = arith.constant 200 : i32
      %add3A_177 = arith.addi %mul3A_2, %add3A_150 : i32
      %dma_start3A_178 = arith.constant 1 : i32
      %dma_start3A_179 = arith.constant 0 : i32
      %dma_start3A_180 = arith.constant 0 : i32
      %dma_start3A_181 = tpu.memref_slice %arg8[%dma_start3A_178, %dma_start3A_179, %dma_start3A_180] : memref<2x200x64xf32, #tpu.memory_space<vmem>> -> memref<1x200x64xf32, #tpu.memory_space<vmem>>
      %dma_start3A_182 = tpu.memref_squeeze %dma_start3A_181 : memref<1x200x64xf32, #tpu.memory_space<vmem>> -> memref<200x64xf32, #tpu.memory_space<vmem>>
      %dma_start3A_183 = arith.constant 0 : i32
      %dma_start3A_184 = arith.constant 0 : i32
      %dma_start3A_185 = tpu.memref_slice %arg5[%add3A_177, %dma_start3A_183, %dma_start3A_184] : memref<4096x200x64xf32, #tpu.memory_space<hbm>> -> memref<1x200x64xf32, #tpu.memory_space<hbm>>
      %dma_start3A_186 = tpu.memref_squeeze %dma_start3A_185 : memref<1x200x64xf32, #tpu.memory_space<hbm>> -> memref<200x64xf32, #tpu.memory_space<hbm>>
      %dma_start3A_187 = arith.constant 0 : i32
      %dma_start3A_188 = arith.constant 0 : i32
      %dma_start3A_189 = tpu.memref_slice %arg5[%add3A_177, %dma_start3A_187, %dma_start3A_188] : memref<4096x200x64xf32, #tpu.memory_space<hbm>> -> memref<1x200x64xf32, #tpu.memory_space<hbm>>
      %dma_start3A_190 = tpu.memref_squeeze %dma_start3A_189 : memref<1x200x64xf32, #tpu.memory_space<hbm>> -> memref<200x64xf32, #tpu.memory_space<hbm>>
      %dma_start3A_191 = arith.constant 0 : i32
      %dma_start3A_192 = arith.constant 0 : i32
      %dma_start3A_193 = tpu.memref_slice %arg8[%dma_start3A_178, %dma_start3A_191, %dma_start3A_192] : memref<2x200x64xf32, #tpu.memory_space<vmem>> -> memref<1x200x64xf32, #tpu.memory_space<vmem>>
      %dma_start3A_194 = tpu.memref_squeeze %dma_start3A_193 : memref<1x200x64xf32, #tpu.memory_space<vmem>> -> memref<200x64xf32, #tpu.memory_space<vmem>>
      tpu.enqueue_dma source(%dma_start3A_194 : memref<200x64xf32, #tpu.memory_space<vmem>>) target(%dma_start3A_190 : memref<200x64xf32, #tpu.memory_space<hbm>>) target_semaphore(%arg13 : memref<!tpu.dma_semaphore, #tpu.memory_space<semaphore_mem>>)
      %add3A_195 = arith.constant 2 : i32
      %add3A_196 = arith.addi %add3A_150, %add3A_195 : i32
      %lt3A_197 = arith.constant 128 : i32
      %lt3A_198 = arith.cmpi slt, %add3A_196, %lt3A_197 : i32
      %convert_element_type3A_199 = arith.extui %lt3A_198 : i1 to i32
      %cond3A_200 = arith.constant 0 : i32
      %cond3A_201 = arith.cmpi ne, %convert_element_type3A_199, %cond3A_200 : i32
      scf.if %cond3A_201 {
        %add3A_202 = arith.constant 2 : i32
        %add3A_203 = arith.addi %add3A_150, %add3A_202 : i32
        %add3A_204 = arith.addi %mul3A_2, %add3A_203 : i32
        %run_scoped3A_205 = arith.constant 1 : i32
        "tpu.region"() ({
          %run_scoped3A_230 = tpu.sem_alloc : memref<!tpu.dma_semaphore, #tpu.memory_space<semaphore_mem>>
          %dma_start3A_231 = arith.constant 0 : i32
          %dma_start3A_232 = tpu.memref_slice %arg6[%run_scoped3A_205, %dma_start3A_231] : memref<2x200xi32, #tpu.memory_space<vmem>> -> memref<1x200xi32, #tpu.memory_space<vmem>>
          %dma_start3A_233 = tpu.memref_squeeze %dma_start3A_232 : memref<1x200xi32, #tpu.memory_space<vmem>> -> memref<200xi32, #tpu.memory_space<vmem>>
          %dma_start3A_234 = arith.constant 0 : i32
          %dma_start3A_235 = tpu.memref_slice %arg2[%add3A_204, %dma_start3A_234] : memref<4096x200xi32, #tpu.memory_space<hbm>> -> memref<1x200xi32, #tpu.memory_space<hbm>>
          %dma_start3A_236 = tpu.memref_squeeze %dma_start3A_235 : memref<1x200xi32, #tpu.memory_space<hbm>> -> memref<200xi32, #tpu.memory_space<hbm>>
          %dma_start3A_237 = arith.constant 0 : i32
          %dma_start3A_238 = tpu.memref_slice %arg6[%run_scoped3A_205, %dma_start3A_237] : memref<2x200xi32, #tpu.memory_space<vmem>> -> memref<1x200xi32, #tpu.memory_space<vmem>>
          %dma_start3A_239 = tpu.memref_squeeze %dma_start3A_238 : memref<1x200xi32, #tpu.memory_space<vmem>> -> memref<200xi32, #tpu.memory_space<vmem>>
          %dma_start3A_240 = arith.constant 0 : i32
          %dma_start3A_241 = tpu.memref_slice %arg2[%add3A_204, %dma_start3A_240] : memref<4096x200xi32, #tpu.memory_space<hbm>> -> memref<1x200xi32, #tpu.memory_space<hbm>>
          %dma_start3A_242 = tpu.memref_squeeze %dma_start3A_241 : memref<1x200xi32, #tpu.memory_space<hbm>> -> memref<200xi32, #tpu.memory_space<hbm>>
          tpu.enqueue_dma source(%dma_start3A_242 : memref<200xi32, #tpu.memory_space<hbm>>) target(%dma_start3A_239 : memref<200xi32, #tpu.memory_space<vmem>>) target_semaphore(%run_scoped3A_230 : memref<!tpu.dma_semaphore, #tpu.memory_space<semaphore_mem>>)
          %dma_wait3A_243 = arith.constant 0 : i32
          %dma_wait3A_244 = tpu.memref_slice %arg6[%run_scoped3A_205, %dma_wait3A_243] : memref<2x200xi32, #tpu.memory_space<vmem>> -> memref<1x200xi32, #tpu.memory_space<vmem>>
          %dma_wait3A_245 = tpu.memref_squeeze %dma_wait3A_244 : memref<1x200xi32, #tpu.memory_space<vmem>> -> memref<200xi32, #tpu.memory_space<vmem>>
          %dma_wait3A_246 = arith.constant 0 : i32
          %dma_wait3A_247 = tpu.memref_slice %arg2[%add3A_204, %dma_wait3A_246] : memref<4096x200xi32, #tpu.memory_space<hbm>> -> memref<1x200xi32, #tpu.memory_space<hbm>>
          %dma_wait3A_248 = tpu.memref_squeeze %dma_wait3A_247 : memref<1x200xi32, #tpu.memory_space<hbm>> -> memref<200xi32, #tpu.memory_space<hbm>>
          %dma_wait3A_249 = arith.constant 0 : i32
          %dma_wait3A_250 = tpu.memref_slice %arg6[%run_scoped3A_205, %dma_wait3A_249] : memref<2x200xi32, #tpu.memory_space<vmem>> -> memref<1x200xi32, #tpu.memory_space<vmem>>
          %dma_wait3A_251 = tpu.memref_squeeze %dma_wait3A_250 : memref<1x200xi32, #tpu.memory_space<vmem>> -> memref<200xi32, #tpu.memory_space<vmem>>
          %dma_wait3A_252 = arith.constant 0 : i32
          %dma_wait3A_253 = tpu.memref_slice %arg2[%add3A_204, %dma_wait3A_252] : memref<4096x200xi32, #tpu.memory_space<hbm>> -> memref<1x200xi32, #tpu.memory_space<hbm>>
          %dma_wait3A_254 = tpu.memref_squeeze %dma_wait3A_253 : memref<1x200xi32, #tpu.memory_space<hbm>> -> memref<200xi32, #tpu.memory_space<hbm>>
          tpu.wait_dma2 semaphore(%run_scoped3A_230 : memref<!tpu.dma_semaphore, #tpu.memory_space<semaphore_mem>>) src(%dma_wait3A_254 : memref<200xi32, #tpu.memory_space<hbm>>) dst(%dma_wait3A_251 : memref<200xi32, #tpu.memory_space<vmem>>)
          tpu.yield
        }) : () -> ()
        %dma_start3A_206 = arith.constant 1 : i32
        %dma_start3A_207 = arith.constant 1 : i32
        %dma_start3A_208 = arith.constant 0 : i32
        %dma_start3A_209 = arith.constant 0 : i32
        %dma_start3A_210 = tpu.memref_slice %arg7[%dma_start3A_207, %dma_start3A_208, %dma_start3A_209] : memref<2x200x128xf32, #tpu.memory_space<vmem>> -> memref<1x128x128xf32, #tpu.memory_space<vmem>>
        %dma_start3A_211 = tpu.memref_squeeze %dma_start3A_210 : memref<1x128x128xf32, #tpu.memory_space<vmem>> -> memref<128x128xf32, #tpu.memory_space<vmem>>
        %dma_start3A_212 = arith.constant 0 : i32
        %dma_start3A_213 = tpu.memref_slice %arg6[%dma_start3A_206, %dma_start3A_212] : memref<2x200xi32, #tpu.memory_space<vmem>> -> memref<1x128xi32, #tpu.memory_space<vmem>>
        %dma_start3A_214 = tpu.memref_squeeze %dma_start3A_213 : memref<1x128xi32, #tpu.memory_space<vmem>> -> memref<128xi32, #tpu.memory_space<vmem>>
        %dma_start3A_215 = arith.constant 0 : i32
        %dma_start3A_216 = arith.constant 0 : i32
        %dma_start3A_217 = tpu.memref_slice %arg3[%dma_start3A_215, %dma_start3A_216] : memref<1000000x128xf32, #tpu.memory_space<hbm>> -> memref<1000000x128xf32, #tpu.memory_space<hbm>>
        tpu.enqueue_indirect_dma source(%dma_start3A_217 : memref<1000000x128xf32, #tpu.memory_space<hbm>>) target(%dma_start3A_211 : memref<128x128xf32, #tpu.memory_space<vmem>>) offsets(%dma_start3A_214 : memref<128xi32, #tpu.memory_space<vmem>>) semaphore(%arg11 : memref<!tpu.dma_semaphore, #tpu.memory_space<semaphore_mem>>)
        %dma_start3A_218 = arith.constant 1 : i32
        %dma_start3A_219 = arith.constant 1 : i32
        %dma_start3A_220 = arith.constant 128 : i32
        %dma_start3A_221 = arith.constant 0 : i32
        %dma_start3A_222 = tpu.memref_slice %arg7[%dma_start3A_219, %dma_start3A_220, %dma_start3A_221] : memref<2x200x128xf32, #tpu.memory_space<vmem>> -> memref<1x72x128xf32, #tpu.memory_space<vmem>>
        %dma_start3A_223 = tpu.memref_squeeze %dma_start3A_222 : memref<1x72x128xf32, #tpu.memory_space<vmem>> -> memref<72x128xf32, #tpu.memory_space<vmem>>
        %dma_start3A_224 = arith.constant 128 : i32
        %dma_start3A_225 = tpu.memref_slice %arg6[%dma_start3A_218, %dma_start3A_224] : memref<2x200xi32, #tpu.memory_space<vmem>> -> memref<1x72xi32, #tpu.memory_space<vmem>>
        %dma_start3A_226 = tpu.memref_squeeze %dma_start3A_225 : memref<1x72xi32, #tpu.memory_space<vmem>> -> memref<72xi32, #tpu.memory_space<vmem>>
        %dma_start3A_227 = arith.constant 0 : i32
        %dma_start3A_228 = arith.constant 0 : i32
        %dma_start3A_229 = tpu.memref_slice %arg3[%dma_start3A_227, %dma_start3A_228] : memref<1000000x128xf32, #tpu.memory_space<hbm>> -> memref<1000000x128xf32, #tpu.memory_space<hbm>>
        tpu.enqueue_indirect_dma source(%dma_start3A_229 : memref<1000000x128xf32, #tpu.memory_space<hbm>>) target(%dma_start3A_223 : memref<72x128xf32, #tpu.memory_space<vmem>>) offsets(%dma_start3A_226 : memref<72xi32, #tpu.memory_space<vmem>>) semaphore(%arg11 : memref<!tpu.dma_semaphore, #tpu.memory_space<semaphore_mem>>)
      } else {
      }
    }
    %scan3A_59 = arith.constant 64 : i32
    %dma_wait3A = arith.constant 0 : i32
    %dma_wait3A_60 = arith.constant 0 : i32
    %dma_wait3A_61 = arith.constant 0 : i32
    %dma_wait3A_62 = arith.constant 0 : i32
    %dma_wait3A_63 = tpu.memref_slice %arg8[%dma_wait3A, %dma_wait3A_61, %dma_wait3A_62] : memref<2x200x64xf32, #tpu.memory_space<vmem>> -> memref<1x200x64xf32, #tpu.memory_space<vmem>>
    %dma_wait3A_64 = tpu.memref_squeeze %dma_wait3A_63 : memref<1x200x64xf32, #tpu.memory_space<vmem>> -> memref<200x64xf32, #tpu.memory_space<vmem>>
    %dma_wait3A_65 = arith.constant 0 : i32
    %dma_wait3A_66 = arith.constant 0 : i32
    %dma_wait3A_67 = tpu.memref_slice %arg5[%dma_wait3A_60, %dma_wait3A_65, %dma_wait3A_66] : memref<4096x200x64xf32, #tpu.memory_space<hbm>> -> memref<1x200x64xf32, #tpu.memory_space<hbm>>
    %dma_wait3A_68 = tpu.memref_squeeze %dma_wait3A_67 : memref<1x200x64xf32, #tpu.memory_space<hbm>> -> memref<200x64xf32, #tpu.memory_space<hbm>>
    %dma_wait3A_69 = arith.constant 0 : i32
    %dma_wait3A_70 = arith.constant 0 : i32
    %dma_wait3A_71 = tpu.memref_slice %arg5[%dma_wait3A_60, %dma_wait3A_69, %dma_wait3A_70] : memref<4096x200x64xf32, #tpu.memory_space<hbm>> -> memref<1x200x64xf32, #tpu.memory_space<hbm>>
    %dma_wait3A_72 = tpu.memref_squeeze %dma_wait3A_71 : memref<1x200x64xf32, #tpu.memory_space<hbm>> -> memref<200x64xf32, #tpu.memory_space<hbm>>
    %dma_wait3A_73 = arith.constant 0 : i32
    %dma_wait3A_74 = arith.constant 0 : i32
    %dma_wait3A_75 = tpu.memref_slice %arg8[%dma_wait3A, %dma_wait3A_73, %dma_wait3A_74] : memref<2x200x64xf32, #tpu.memory_space<vmem>> -> memref<1x200x64xf32, #tpu.memory_space<vmem>>
    %dma_wait3A_76 = tpu.memref_squeeze %dma_wait3A_75 : memref<1x200x64xf32, #tpu.memory_space<vmem>> -> memref<200x64xf32, #tpu.memory_space<vmem>>
    tpu.wait_dma2 semaphore(%arg12 : memref<!tpu.dma_semaphore, #tpu.memory_space<semaphore_mem>>) src(%dma_wait3A_76 : memref<200x64xf32, #tpu.memory_space<vmem>>) dst(%dma_wait3A_72 : memref<200x64xf32, #tpu.memory_space<hbm>>)
    %dma_wait3A_77 = arith.constant 1 : i32
    %dma_wait3A_78 = arith.constant 0 : i32
    %dma_wait3A_79 = arith.constant 0 : i32
    %dma_wait3A_80 = arith.constant 0 : i32
    %dma_wait3A_81 = tpu.memref_slice %arg8[%dma_wait3A_77, %dma_wait3A_79, %dma_wait3A_80] : memref<2x200x64xf32, #tpu.memory_space<vmem>> -> memref<1x200x64xf32, #tpu.memory_space<vmem>>
    %dma_wait3A_82 = tpu.memref_squeeze %dma_wait3A_81 : memref<1x200x64xf32, #tpu.memory_space<vmem>> -> memref<200x64xf32, #tpu.memory_space<vmem>>
    %dma_wait3A_83 = arith.constant 0 : i32
    %dma_wait3A_84 = arith.constant 0 : i32
    %dma_wait3A_85 = tpu.memref_slice %arg5[%dma_wait3A_78, %dma_wait3A_83, %dma_wait3A_84] : memref<4096x200x64xf32, #tpu.memory_space<hbm>> -> memref<1x200x64xf32, #tpu.memory_space<hbm>>
    %dma_wait3A_86 = tpu.memref_squeeze %dma_wait3A_85 : memref<1x200x64xf32, #tpu.memory_space<hbm>> -> memref<200x64xf32, #tpu.memory_space<hbm>>
    %dma_wait3A_87 = arith.constant 0 : i32
    %dma_wait3A_88 = arith.constant 0 : i32
    %dma_wait3A_89 = tpu.memref_slice %arg5[%dma_wait3A_78, %dma_wait3A_87, %dma_wait3A_88] : memref<4096x200x64xf32, #tpu.memory_space<hbm>> -> memref<1x200x64xf32, #tpu.memory_space<hbm>>
    %dma_wait3A_90 = tpu.memref_squeeze %dma_wait3A_89 : memref<1x200x64xf32, #tpu.memory_space<hbm>> -> memref<200x64xf32, #tpu.memory_space<hbm>>
    %dma_wait3A_91 = arith.constant 0 : i32
    %dma_wait3A_92 = arith.constant 0 : i32
    %dma_wait3A_93 = tpu.memref_slice %arg8[%dma_wait3A_77, %dma_wait3A_91, %dma_wait3A_92] : memref<2x200x64xf32, #tpu.memory_space<vmem>> -> memref<1x200x64xf32, #tpu.memory_space<vmem>>
    %dma_wait3A_94 = tpu.memref_squeeze %dma_wait3A_93 : memref<1x200x64xf32, #tpu.memory_space<vmem>> -> memref<200x64xf32, #tpu.memory_space<vmem>>
    tpu.wait_dma2 semaphore(%arg13 : memref<!tpu.dma_semaphore, #tpu.memory_space<semaphore_mem>>) src(%dma_wait3A_94 : memref<200x64xf32, #tpu.memory_space<vmem>>) dst(%dma_wait3A_90 : memref<200x64xf32, #tpu.memory_space<hbm>>)
    return
  }
}

</mosaic_0001>

<sc_bundles>
// kernel: kernel.3.cloned.1.call-start
scs
__scs_entry_jumppad:
0x0: {  	(pc) =	sbr.rel $0x88, $3  }
0x1: {  	(tag) =	ssettag $0x0;
	lr =	simm.s32 $0x1  }
0x2: {  	[smem:$0x3F9E] =	sst lr;
	_ =	strace $0xD0000000  }
0x3: {  	_ = 	snop  }
0x4: {  	_ = 	snop  }
0x5: {  	_ = 	snop  }
0x6: {  	_ = 	snop  }
0x7: {  	_ = 	snop  }
__scs_overlays_trampoline_lowered:
0x8: {  	[smem:$0x3FAD] =	sst s0  }
0x9: {  	[smem:$0x3FAE] =	sst s1  }
0xa: {  	[smem:$0x3FAF] =	sst s2  }
0xb: {  	[smem:$0x3FB0] =	sst s3  }
0xc: {  	[smem:$0x3FB1] =	sst s4  }
0xd: {  	[smem:$0x3FB2] =	sst s5  }
0xe: {  	[smem:$0x3FB3] =	sst s6  }
0xf: {  	[smem:$0x3FB4] =	sst s7  }
0x10: {  	[smem:$0x3FB5] =	sst s8  }
0x11: {  	[smem:$0x3FB6] =	sst s9;
	s0 =	simm.s32 @!p0 $0x0  }
0x12: {  	s1 =	sld [smem:$0x3F9C];
	s0 =	simm.s32 @p0 $0x1  }
0x13: {  	[smem:$0x3FB7] =	sst s0;
	s0 =	simm.s32 @!p1 $0x0  }
0x14: {  	s2 =	sld [smem:$0x3F9B];
	s0 =	simm.s32 @p1 $0x1  }
0x15: {  	[smem:$0x3FB8] =	sst s0;
	s0 =	simm.s32 @!p2 $0x0  }
0x16: {  	s3 =	sld [smem:$0x3FDB];
	s0 =	simm.s32 @p2 $0x1  }
0x17: {  	s4 =	simm.s32 $0x1BF5;
	[smem:$0x3FBA] =	sst s0  }
0x18: {  	s0 =	sld [smem:$0x3F9D];
	_ =	swait.ge [sflag:s4], $0x0  }
0x19: {  	s7 =	sld [smem:$0x3F9E]  }
0x1a: {  	s8 =	sadd.s32 $0xFFFFE003, lr  }
0x1b: {  	s9 =	sadd.s32 $0xFFFFFEF7, lr;
	s5 =	simm.s32 $0xFFFFFFFF;
	p2 =	slt.u32 s8, $0xFFFFF086  }
0x1c: {  	p1 =	slt.u32 s9, $0xF7A;
	s5 =	simm.s32 @!p2 $0x0  }
0x1d: {  	s5 =	simm.s32 @p1 $0x1;
	p0 =	seq.s32 s7, s2  }
0x1e: {  	s7 =	smul.u32 @!p0 $0xF7A, s2;
	p2 =	seq.s32 @!p0 s5, $0x0  }
0x1f: {  	s9 =	smul.u32 $0xF7A, s1;
	s8 =	simm.s32 @!p0 $0x1BF5;
	p2 =	por !p2, p0  }
0x20: {  	[sflag:s8] =	ssyncset.s32 @!p0 $0xFFFFF086;
	s6 =	sadd.s32 @!p0 s3, s7;
	s7 =	simm.s32 @!p0 $0x108  }
0x21: {  	s3 =	sadd.s32 s3, s9;
	s6 =	sadd.s32 @!p0 $0x88, s6;
	s7 =	simm.s32 @p2 $0x1082  }
0x22: {  	[simem:s7], [sflag:s8] =	dma.local @!p0 [hbm:s6], $0xF7A  }
0x23: {  	s9 =	sor.u32 $0xD0000000, s2;
	s6 =	simm.s32 $0x108;
	_ =	swait.ge @!p0 [sflag:s8], $0x0  }
0x24: {  	s3 =	sadd.s32 $0x88, s3;
	s6 =	simm.s32 @!p1 $0x1082;
	[sflag:s4] =	ssyncset.s32 $0xFFFFF086  }
0x25: {  	[simem:s6], [sflag:s4] =	dma.local [hbm:s3], $0xF7A  }
0x26: {  	[smem:$0x3F9E] =	sst s1;
	(tag) =	ssettag s2;
	_ =	strace s9  }
0x27: {  	s1 =	sld [smem:$0x3FAE]  }
0x28: {  	s2 =	sld [smem:$0x3FAF]  }
0x29: {  	s4 =	sld [smem:$0x3FB1]  }
0x2a: {  	p0 =	seq.s32 s5, $0x0;
	s5 =	sld [smem:$0x3FB2]  }
0x2b: {  	s6 =	sld [smem:$0x3FB3]  }
0x2c: {  	s7 =	sld [smem:$0x3FB4]  }
0x2d: {  	s3 =	simm.s32 $0x108;
	s8 =	sld [smem:$0x3FB5]  }
0x2e: {  	s3 =	simm.s32 @!p0 $0x1082;
	s9 =	sld [smem:$0x3FB6]  }
0x2f: {  	lr =	sadd.s32 s0, s3;
	s0 =	sld [smem:$0x3FAD]  }
0x30: {  	s3 =	sld [smem:$0x3FB0]  }
0x31: {  	[smem:$0x3FB9] =	sst s10  }
0x32: {  	s10 =	sld [smem:$0x3FB7];
	_ =	sdelay $0x3  }
0x33: {  	p0 =	seq.s32 s10, $0x1;
	s10 =	sld [smem:$0x3FB9];
	_ =	sdelay $0x3  }
0x34: {  	[smem:$0x3FB9] =	sst s10  }
0x35: {  	s10 =	sld [smem:$0x3FB8];
	_ =	sdelay $0x3  }
0x36: {  	p1 =	seq.s32 s10, $0x1;
	s10 =	sld [smem:$0x3FB9];
	_ =	sdelay $0x3  }
0x37: {  	[smem:$0x3FB9] =	sst s10  }
0x38: {  	s10 =	sld [smem:$0x3FBA]  }
0x39: {  	_ = 	snop;
	(pc) =	sbr.ind lr, $3  }
0x3a: {  	_ = 	snop  }
0x3b: {  	_ = 	snop  }
0x3c: {  	p2 =	seq.s32 s10, $0x1;
	s10 =	sld [smem:$0x3FB9]  }
0x3d: {  	_ =	shalt  }
0x3e: {  	_ =	shalt  }
0x3f: {  	_ =	shalt  }
0x40: {  	_ =	shalt  }
0x41: {  	_ =	shalt  }
0x42: {  	_ =	shalt  }
0x43: {  	_ =	shalt  }
0x44: {  	_ =	shalt  }
0x45: {  	_ =	shalt  }
0x46: {  	_ =	shalt  }
0x47: {  	_ =	shalt  }
0x48: {  	_ =	shalt  }
0x49: {  	_ =	shalt  }
0x4a: {  	_ =	shalt  }
0x4b: {  	_ =	shalt  }
0x4c: {  	_ =	shalt  }
0x4d: {  	_ =	shalt  }
0x4e: {  	_ =	shalt  }
0x4f: {  	_ =	shalt  }
0x50: {  	_ =	shalt  }
0x51: {  	_ =	shalt  }
0x52: {  	_ =	shalt  }
0x53: {  	_ =	shalt  }
0x54: {  	_ =	shalt  }
0x55: {  	_ =	shalt  }
0x56: {  	_ =	shalt  }
0x57: {  	_ =	shalt  }
0x58: {  	_ =	shalt  }
0x59: {  	_ =	shalt  }
0x5a: {  	_ =	shalt  }
0x5b: {  	_ =	shalt  }
0x5c: {  	_ =	shalt  }
0x5d: {  	_ =	shalt  }
0x5e: {  	_ =	shalt  }
0x5f: {  	_ =	shalt  }
0x60: {  	_ =	shalt  }
0x61: {  	_ =	shalt  }
0x62: {  	_ =	shalt  }
0x63: {  	_ =	shalt  }
0x64: {  	_ =	shalt  }
0x65: {  	_ =	shalt  }
0x66: {  	_ =	shalt  }
0x67: {  	_ =	shalt  }
0x68: {  	_ =	shalt  }
0x69: {  	_ =	shalt  }
0x6a: {  	_ =	shalt  }
0x6b: {  	_ =	shalt  }
0x6c: {  	_ =	shalt  }
0x6d: {  	_ =	shalt  }
0x6e: {  	_ =	shalt  }
0x6f: {  	_ =	shalt  }
0x70: {  	_ =	shalt  }
0x71: {  	_ =	shalt  }
0x72: {  	_ =	shalt  }
0x73: {  	_ =	shalt  }
0x74: {  	_ =	shalt  }
0x75: {  	_ =	shalt  }
0x76: {  	_ =	shalt  }
0x77: {  	_ =	shalt  }
0x78: {  	_ =	shalt  }
0x79: {  	_ =	shalt  }
0x7a: {  	_ =	shalt  }
0x7b: {  	_ =	shalt  }
0x7c: {  	_ =	shalt  }
0x7d: {  	_ =	shalt  }
0x7e: {  	_ =	shalt  }
0x7f: {  	_ =	shalt  }
0x80: {  	_ =	shalt  }
0x81: {  	_ =	shalt  }
0x82: {  	_ =	shalt  }
0x83: {  	_ =	shalt  }
0x84: {  	_ =	shalt  }
0x85: {  	_ =	shalt  }
0x86: {  	_ =	shalt  }
0x87: {  	_ =	shalt  }
.Lfunc_end0:
.L_simem_size_0:
called_computation_lowered:
.L_overlay_start_0:
0x88: {  	s2 =	sld [smem:$0x3FD9]  }
0x89: {  	s3 =	sld [smem:$0x3FFE];
	_ =	sdelay $0x1  }
0x8a: {  	s1 =	srdreg.scid  }
0x8b: {  	s0 =	sand.u32 $0x1, s1  }
0x8c: {  	s17 =	sshll.u32 s0, $0xA;
	s2 =	sadd.s32 s3, s2  }
0x8d: {  	s2 =	sadd.s32 s2, s17  }
0x8e: {  	[smem:$0x3FC5] =	sst s2  }
0x8f: {  	_ = 	snop  }
0x90: {  	s2 =	sld [smem:$0x3FD0];
	(tm) =	ssettm $0x1  }
0x91: {  	s18 =	sld [smem:$0x3FFB];
	_ =	sdelay $0x3  }
0x92: {  	_ =	strace s18  }
0x93: {  	s3 =	sld [smem:$0x3FFC];
	_ =	sdelay $0x3  }
0x94: {  	_ =	strace s3  }
0x95: {  	s3 =	sld [smem:$0x3FFD];
	_ =	sdelay $0x3  }
0x96: {  	_ =	strace s3  }
0x97: {  	_ =	strace $0x8FFFFFFF  }
0x98: {  	s19 =	sld [smem:$0x3FDB];
	_ =	sdelay $0x1  }
0x99: {  	s4 =	simm.s32 $_scs_section_size  }
0x9a: {  	s5 =	simm.s32 $_size__tile_overlayer_lowered;
	s6 =	simm.s32 $_tile_overlayer_lowered  }
0x9b: {  	s22 =	simm.s32 $0x1BFF;
	s21 =	sshll.u32 s6, $0x1;
	s3 =	sadd.s32 s4, s19  }
0x9c: {  	s7 =	simm.s32 $0x0;
	s20 =	sshll.u32 s5, $0x1;
	s5 =	sadd.s32 s21, s3  }
0x9d: {  	[timem:s7], [sflag:s22] =	dma.local [hbm:s5], s20  }
0x9e: {  	_ =	swait.ge [sflag:s22], s20  }
0x9f: {  	s4 =	ssub.s32 $0x0, s20;
	[sflag:s22] =	ssyncset.done $0x0  }
0xa0: {  	[sflag:s22] =	ssyncadd.s32 s4;
	_ =	sdelay $0x1  }
0xa1: {  	s23 =	simm.s32 $0x1B8B  }
0xa2: {  	_ =	swait.ge [sflag:s23], $0x1  }
0xa3: {  	[sflag:s23] =	ssyncset.done $0x0  }
0xa4: {  	s25 =	simm.s32 $0x1B8E;
	s24 =	sld [smem:$0x3FFE];
	[sflag:s23] =	ssyncadd.s32 $0xFFFFFFFF  }
0xa5: {  	s26 =	simm.s32 $execute0_lowered;
	[smem:$0x3FD2] =	sst s25  }
0xa6: {  	s5 =	sshll.u32 s26, $0x1;
	_ =	strace $0x80000046;
	[dreg:$0x1] =	wrdreg $0xFFFFFFFF  }
0xa7: {  	s28 =	simm.s32 $_size_execute0_lowered;
	s3 =	sadd.s32 s3, s5;
	[dreg:$0x0] =	wrdreg $0x0  }
0xa8: {  	s5 =	sshll.u32 s28, $0x1;
	[dreg:$0x2] =	wrdreg s3  }
0xa9: {  	[dreg:$0x3] =	wrdreg s5  }
0xaa: {  	[dreg:$0x4] =	wrdreg $0xC0  }
0xab: {  	_ =	task [dreg:s7], $0x5FFFF  }
0xac: {  	[dreg:$0x1] =	wrdreg $0xFFFFFFFF  }
0xad: {  	[dreg:$0x0] =	wrdreg $0x60  }
0xae: {  	[dreg:$0x2] =	wrdreg s2  }
0xaf: {  	[dreg:$0x3] =	wrdreg s24  }
0xb0: {  	[dreg:$0x4] =	wrdreg $0x9  }
0xb1: {  	_ =	task.clear_ibuf [dreg:s7], $0x5FFFF;
	_ =	strace $0x90000046  }
0xb2: {  	s29 =	simm.s32 $0x9;
	_ =	strace $0x80000048  }
0xb3: {  	_ =	swait.ge [sflag:s29], $0x1  }
0xb4: {  	[sflag:s29] =	ssyncadd.s32 $0xFFFFFFFF  }
0xb5: {  	_ =	strace $0x90000048  }
0xb6: {  	_ =	sfence  }
0xb7: {  	s30 =	sld [smem:$0x0];
	_ =	sdelay $0x2  }
0xb8: {  	s31 =	sshll.u32 s1, $0xD;
	s1 =	sshrl.u32 s1, $0x2  }
0xb9: {  	s3 =	sand.u32 $0x4000, s31;
	s1 =	sadd.s32 s1, s30  }
0xba: {  	s0 =	sor.u32 s3, s0;
	s1 =	sshll.u32 s1, $0x11  }
0xbb: {  	s0 =	sor.u32 s1, s0  }
0xbc: {  	s0 =	sadd.s32 $0x8F2B, s0  }
0xbd: {  	[sflag:s0] =	ssyncadd.remote.s32 $0x1  }
0xbe: {  	_ =	sfence.sel $0xFFFF  }
0xbf: {  	[dreg:$0x0] =	wrdreg $0xFFFFFFFF;
	(pc) =	sbr.abs _section_cstart, $3  }
0xc0: {  	[dreg:$0x1] =	wrdreg $0xFFFFFFFF  }
0xc1: {  	_ =	task.clear_ibuf [dreg:s7], $0x2FFFF;
	_ =	strace $0x9FFFFFFF  }
0xc2: {  	(tm) =	ssettm $0x7FFFFFFF  }
0xc3: {  	_ =	shalt  }
tec
execute0_lowered:
.L_overlay_start_1:
0x0: {  	(tag) =	ssettag $0x1  }
0x1: {  	s1 =	rddreg [dreg:$0x0]  }
0x2: {  	s0 =	rddreg [dreg:$0x1];
	s3 =	simm.s32 $0x0  }
0x3: {  	s2 =	srdreg.scid;
	s4 =	stileid.u32;
	s12 =	simm.s32 $0x5  }
0x4: {  	s15 =	simm.s32 $0x80;
	s17 =	simm.s32 $0x48;
	s20 =	simm.s32 $0x180  }
0x5: {  	s21 =	simm.s32 $0x6600;
	s22 =	simm.s32 $0xA600;
	s23 =	simm.s32 $0x1  }
0x6: {  	s24 =	simm.s32 $0xCA00;
	s28 =	simm.s32 $0x3;
	s29 =	simm.s32 $0x4  }
0x7: {  	s30 =	simm.s32 $0x0;
	[smem:$0x7FF] =	sst s3;
	s2 =	sand.u32 $0x1, s2  }
0x8: {  	s5 =	sshll.u32 s4, $0x8;
	s4 =	sadd.s32 $0xF43A00, s0;
	s25 =	sadd.s32 $0xF42C00, s0  }
0x9: {  	s7 =	sadd.s32 $0x800, s0;
	_ =	strace $0x80000047;
	s6 =	sshll.u32 s2, $0x7  }
.Ltmp0:
0xa: {  	s2 =	ssub.s32 $0x2, s2;
	s5 =	sor.u32 s6, s5;
	(pc) =	sbr.rel .LBB2_1-.Ltmp0, $4  }
0xb: {  	[dreg:$0x3] =	wrdreg s25;
	s26 =	sshrl.u32 s2, $0x1;
	s8 =	sshll.u32 s5, $0x5  }
0xc: {  	s25 =	simm.s32 $0x2;
	s31 =	ssub.s32 s2, s26;
	s8 =	sadd.s32 s1, s8  }
0xd: {  	s26 =	simm.s32 $0x12E00;
	s0 =	smax.u32 s31, $0x1;
	s9 =	sadd.s32 $0x10, s8  }
0xe: {  	[dreg:$0x4] =	wrdreg s0;
	s13 =	sadd.s32 $0x80, s8;
	s19 =	sadd.s32 $0x80, s9  }
.LBB2_8:
0xf: {  	_ =	swait.ge [sflag:s28], $0x6400  }
0x10: {  	[sflag:s28] =	ssyncset.done $0x0  }
0x11: {  	[sflag:s28] =	ssyncadd.s32 $0xFFFF9C00  }
0x12: {  	_ =	swait.ge [sflag:s29], $0x6400  }
0x13: {  	s30 =	sadd.s32 $0x1, s30;
	s0 =	rddreg [dreg:$0x4]  }
0x14: {  	p0 =	sne.s32 s30, s0  }
.Ltmp1:
0x15: {  	_ = 	snop;
	(pc) =	sbr.rel @!p0 .LBB2_9-.Ltmp1, $3  }
0x16: {  	_ =	sdelay $0x1  }
0x17: {  	[sflag:s29] =	ssyncset.done $0x0  }
0x18: {  	[sflag:s29] =	ssyncadd.s32 $0xFFFF9C00  }
.LBB2_1:
0x19: {  	s0 =	rddreg [dreg:$0x3];
	s2 =	simm.s32 $0x19200  }
0x1a: {  	[tilespmem:s2], [sflag:$0x5] =	stream.linear.gather [hbm4b:s0+s3], $0x6400, $0x38;
	[tilespmem:$0x1F600] =	vst v63  }
0x1b: {  	_ =	swait.ge [sflag:s12], $0x6400  }
0x1c: {  	[sflag:s12] =	ssyncset.done $0x0  }
0x1d: {  	[sflag:s12] =	ssyncadd.s32 $0xFFFF9C00  }
0x1e: {  	[tilespmem:s3], [sflag:$0x5] =	stream.linear.gather [hbm4b:s8+s3], $0x80, $0x38;
	[tilespmem:$0x1F600] =	vst v63  }
0x1f: {  	s14 =	simm.s32 $0x100  }
0x20: {  	[tilespmem:s14], [sflag:$0x5] =	stream.linear.gather [hbm4b:s13+s3], $0x80, $0x38;
	[tilespmem:$0x1F600] =	vst v63  }
0x21: {  	_ =	swait.ge [sflag:s12], $0x100  }
0x22: {  	[sflag:s12] =	ssyncset.done $0x0  }
0x23: {  	s16 =	simm.s32 $0x200;
	[sflag:s12] =	ssyncadd.s32 $0xFFFFFF00  }
0x24: {  	[tilespmem:s16], [sflag:$0x1] =	stream.indirect.gather [hbm4b:s4+s15], $0x80, s3, s15, $0xb8;
	[tilespmem:$0x1F600] =	vst v63  }
0x25: {  	s18 =	simm.s32 $0x4200  }
0x26: {  	[tilespmem:s18], [sflag:$0x1] =	stream.indirect.gather [hbm4b:s4+s17], $0x80, s14, s17, $0xb8;
	[tilespmem:$0x1F600] =	vst v63  }
0x27: {  	_ = 	snop  }
0x28: {  	[tilespmem:s15], [sflag:$0x5] =	stream.linear.gather [hbm4b:s9+s3], $0x80, $0x38;
	[tilespmem:$0x1F600] =	vst v63  }
0x29: {  	_ = 	snop  }
0x2a: {  	[tilespmem:s20], [sflag:$0x5] =	stream.linear.gather [hbm4b:s19+s3], $0x80, $0x38;
	[tilespmem:$0x1F600] =	vst v63  }
0x2b: {  	_ =	swait.ge [sflag:s12], $0x100  }
0x2c: {  	[sflag:s12] =	ssyncset.done $0x0  }
0x2d: {  	[sflag:s12] =	ssyncadd.s32 $0xFFFFFF00  }
0x2e: {  	[tilespmem:s21], [sflag:$0x2] =	stream.indirect.gather [hbm4b:s4+s15], $0x80, s15, s15, $0xb8;
	[tilespmem:$0x1F600] =	vst v63  }
0x2f: {  	s31 =	simm.s32 $0x0  }
0x30: {  	[tilespmem:s22], [sflag:$0x2] =	stream.indirect.gather [hbm4b:s4+s17], $0x80, s20, s17, $0xb8;
	[tilespmem:$0x1F600] =	vst v63  }
.LBB2_2:
0x31: {  	_ =	swait.ge [sflag:s23], $0x6400  }
0x32: {  	p0 =	seq.s32 s31, $0x0;
	[sflag:s23] =	ssyncset.done $0x0  }
0x33: {  	s0 =	simm.s32 @!p0 $0x3;
	[sflag:s23] =	ssyncadd.s32 $0xFFFF9C00  }
0x34: {  	_ =	swait.ge @!p0 [sflag:s0], $0x6400  }
0x35: {  	[sflag:s0] =	ssyncset.done @!p0 $0x0  }
0x36: {  	s11 =	simm.s32 $0x400;
	[sflag:s0] =	ssyncadd.s32 @!p0 $0xFFFF9C00  }
0x37: {  	s16 =	simm.s32 $0x19400;
	v0 =	vld [tilespmem:s11+$0xFFFFFE00]  }
0x38: {  	v1 =	vld [tilespmem:s16+$0xFFFFFE00];
	_ =	sdelay $0x4  }
0x39: {  	v0 =	vadd.f32 v1, v0  }
0x3a: {  	s2 =	simm.s32 $0xCC00  }
0x3b: {  	[tilespmem:s2+$0xFFFFFE00] =	vst v0  }
0x3c: {  	v0 =	vld [tilespmem:s16+$0xFFFFFE10]  }
0x3d: {  	v1 =	vld [tilespmem:s11+$0xFFFFFE10];
	_ =	sdelay $0x4  }
0x3e: {  	v0 =	vadd.f32 v0, v1;
	_ =	sdelay $0x1  }
0x3f: {  	[tilespmem:s2+$0xFFFFFE10] =	vst v0  }
0x40: {  	v0 =	vld [tilespmem:s11+$0xFFFFFE20]  }
0x41: {  	v1 =	vld [tilespmem:s16+$0xFFFFFE20];
	_ =	sdelay $0x4  }
0x42: {  	v0 =	vadd.f32 v1, v0;
	_ =	sdelay $0x1  }
0x43: {  	[tilespmem:s2+$0xFFFFFE20] =	vst v0  }
0x44: {  	v0 =	vld [tilespmem:s11+$0xFFFFFE30]  }
0x45: {  	v1 =	vld [tilespmem:s16+$0xFFFFFE30];
	_ =	sdelay $0x4  }
0x46: {  	v0 =	vadd.f32 v1, v0;
	_ =	sdelay $0x1  }
0x47: {  	[tilespmem:s2+$0xFFFFFE30] =	vst v0  }
0x48: {  	v0 =	vld [tilespmem:s11+$0xFFFFFE80]  }
0x49: {  	v1 =	vld [tilespmem:s16+$0xFFFFFE80];
	_ =	sdelay $0x4  }
0x4a: {  	v0 =	vadd.f32 v1, v0;
	_ =	sdelay $0x1  }
0x4b: {  	[tilespmem:s2+$0xFFFFFE80] =	vst v0  }
0x4c: {  	v0 =	vld [tilespmem:s11+$0xFFFFFE90]  }
0x4d: {  	v1 =	vld [tilespmem:s16+$0xFFFFFE90];
	_ =	sdelay $0x4  }
0x4e: {  	v0 =	vadd.f32 v1, v0;
	_ =	sdelay $0x1  }
0x4f: {  	[tilespmem:s2+$0xFFFFFE90] =	vst v0  }
0x50: {  	v0 =	vld [tilespmem:s11+$0xFFFFFEA0]  }
0x51: {  	v1 =	vld [tilespmem:s16+$0xFFFFFEA0];
	_ =	sdelay $0x4  }
0x52: {  	v0 =	vadd.f32 v1, v0;
	_ =	sdelay $0x1  }
0x53: {  	[tilespmem:s2+$0xFFFFFEA0] =	vst v0  }
0x54: {  	v0 =	vld [tilespmem:s11+$0xFFFFFEB0]  }
0x55: {  	v1 =	vld [tilespmem:s16+$0xFFFFFEB0];
	_ =	sdelay $0x4  }
0x56: {  	v0 =	vadd.f32 v1, v0;
	_ =	sdelay $0x1  }
0x57: {  	[tilespmem:s2+$0xFFFFFEB0] =	vst v0  }
0x58: {  	v0 =	vld [tilespmem:s11+$0xFFFFFF00]  }
0x59: {  	v1 =	vld [tilespmem:s16+$0xFFFFFF00];
	_ =	sdelay $0x4  }
0x5a: {  	v0 =	vadd.f32 v1, v0;
	_ =	sdelay $0x1  }
0x5b: {  	[tilespmem:s2+$0xFFFFFF00] =	vst v0  }
0x5c: {  	v0 =	vld [tilespmem:s11+$0xFFFFFF10]  }
0x5d: {  	v1 =	vld [tilespmem:s16+$0xFFFFFF10];
	_ =	sdelay $0x4  }
0x5e: {  	v0 =	vadd.f32 v1, v0;
	_ =	sdelay $0x1  }
0x5f: {  	[tilespmem:s2+$0xFFFFFF10] =	vst v0  }
0x60: {  	v0 =	vld [tilespmem:s11+$0xFFFFFF20]  }
0x61: {  	v1 =	vld [tilespmem:s16+$0xFFFFFF20];
	_ =	sdelay $0x4  }
0x62: {  	v0 =	vadd.f32 v1, v0;
	_ =	sdelay $0x1  }
0x63: {  	[tilespmem:s2+$0xFFFFFF20] =	vst v0  }
0x64: {  	v0 =	vld [tilespmem:s11+$0xFFFFFF30]  }
0x65: {  	v1 =	vld [tilespmem:s16+$0xFFFFFF30];
	_ =	sdelay $0x4  }
0x66: {  	v0 =	vadd.f32 v1, v0;
	_ =	sdelay $0x1  }
0x67: {  	[tilespmem:s2+$0xFFFFFF30] =	vst v0  }
0x68: {  	v0 =	vld [tilespmem:s11+$0xFFFFFF80]  }
0x69: {  	v1 =	vld [tilespmem:s16+$0xFFFFFF80];
	_ =	sdelay $0x4  }
0x6a: {  	v0 =	vadd.f32 v1, v0;
	_ =	sdelay $0x1  }
0x6b: {  	[tilespmem:s2+$0xFFFFFF80] =	vst v0  }
0x6c: {  	v0 =	vld [tilespmem:s11+$0xFFFFFF90]  }
0x6d: {  	v1 =	vld [tilespmem:s16+$0xFFFFFF90];
	_ =	sdelay $0x4  }
0x6e: {  	v0 =	vadd.f32 v1, v0;
	_ =	sdelay $0x1  }
0x6f: {  	[tilespmem:s2+$0xFFFFFF90] =	vst v0  }
0x70: {  	v0 =	vld [tilespmem:s11+$0xFFFFFFA0]  }
0x71: {  	v1 =	vld [tilespmem:s16+$0xFFFFFFA0];
	_ =	sdelay $0x4  }
0x72: {  	v0 =	vadd.f32 v1, v0;
	_ =	sdelay $0x1  }
0x73: {  	[tilespmem:s2+$0xFFFFFFA0] =	vst v0  }
0x74: {  	v0 =	vld [tilespmem:s11+$0xFFFFFFB0]  }
0x75: {  	v1 =	vld [tilespmem:s16+$0xFFFFFFB0];
	_ =	sdelay $0x4  }
0x76: {  	v0 =	vadd.f32 v1, v0;
	_ =	sdelay $0x1  }
0x77: {  	[tilespmem:s2+$0xFFFFFFB0] =	vst v0  }
0x78: {  	v0 =	vld [tilespmem:s11+$0x0]  }
0x79: {  	v1 =	vld [tilespmem:s16+$0x0];
	_ =	sdelay $0x4  }
0x7a: {  	v0 =	vadd.f32 v1, v0;
	_ =	sdelay $0x1  }
0x7b: {  	[tilespmem:s2+$0x0] =	vst v0  }
0x7c: {  	v0 =	vld [tilespmem:s11+$0x10]  }
0x7d: {  	v1 =	vld [tilespmem:s16+$0x10];
	_ =	sdelay $0x4  }
0x7e: {  	v0 =	vadd.f32 v1, v0;
	_ =	sdelay $0x1  }
0x7f: {  	[tilespmem:s2+$0x10] =	vst v0  }
0x80: {  	v0 =	vld [tilespmem:s11+$0x20]  }
0x81: {  	v1 =	vld [tilespmem:s16+$0x20];
	_ =	sdelay $0x4  }
0x82: {  	v0 =	vadd.f32 v1, v0;
	_ =	sdelay $0x1  }
0x83: {  	[tilespmem:s2+$0x20] =	vst v0  }
0x84: {  	v0 =	vld [tilespmem:s11+$0x30]  }
0x85: {  	v1 =	vld [tilespmem:s16+$0x30];
	_ =	sdelay $0x4  }
0x86: {  	v0 =	vadd.f32 v1, v0;
	_ =	sdelay $0x1  }
0x87: {  	[tilespmem:s2+$0x30] =	vst v0  }
0x88: {  	v0 =	vld [tilespmem:s11+$0x80]  }
0x89: {  	v1 =	vld [tilespmem:s16+$0x80];
	_ =	sdelay $0x4  }
0x8a: {  	v0 =	vadd.f32 v1, v0;
	_ =	sdelay $0x1  }
0x8b: {  	[tilespmem:s2+$0x80] =	vst v0  }
0x8c: {  	v0 =	vld [tilespmem:s11+$0x90]  }
0x8d: {  	v1 =	vld [tilespmem:s16+$0x90];
	_ =	sdelay $0x4  }
0x8e: {  	v0 =	vadd.f32 v1, v0;
	_ =	sdelay $0x1  }
0x8f: {  	[tilespmem:s2+$0x90] =	vst v0  }
0x90: {  	v0 =	vld [tilespmem:s11+$0xA0]  }
0x91: {  	v1 =	vld [tilespmem:s16+$0xA0];
	_ =	sdelay $0x4  }
0x92: {  	v0 =	vadd.f32 v1, v0;
	_ =	sdelay $0x1  }
0x93: {  	[tilespmem:s2+$0xA0] =	vst v0  }
0x94: {  	v0 =	vld [tilespmem:s11+$0xB0]  }
0x95: {  	v1 =	vld [tilespmem:s16+$0xB0];
	_ =	sdelay $0x4  }
0x96: {  	v0 =	vadd.f32 v1, v0;
	_ =	sdelay $0x1  }
0x97: {  	[tilespmem:s2+$0xB0] =	vst v0  }
0x98: {  	v0 =	vld [tilespmem:s11+$0x100]  }
0x99: {  	v1 =	vld [tilespmem:s16+$0x100];
	_ =	sdelay $0x4  }
0x9a: {  	v0 =	vadd.f32 v1, v0;
	_ =	sdelay $0x1  }
0x9b: {  	[tilespmem:s2+$0x100] =	vst v0  }
0x9c: {  	v0 =	vld [tilespmem:s11+$0x110]  }
0x9d: {  	v1 =	vld [tilespmem:s16+$0x110];
	_ =	sdelay $0x4  }
0x9e: {  	v0 =	vadd.f32 v1, v0;
	_ =	sdelay $0x1  }
0x9f: {  	[tilespmem:s2+$0x110] =	vst v0  }
0xa0: {  	v0 =	vld [tilespmem:s11+$0x120]  }
0xa1: {  	v1 =	vld [tilespmem:s16+$0x120];
	_ =	sdelay $0x4  }
0xa2: {  	v0 =	vadd.f32 v1, v0;
	_ =	sdelay $0x1  }
0xa3: {  	[tilespmem:s2+$0x120] =	vst v0  }
0xa4: {  	v0 =	vld [tilespmem:s11+$0x130]  }
0xa5: {  	v1 =	vld [tilespmem:s16+$0x130];
	_ =	sdelay $0x4  }
0xa6: {  	v0 =	vadd.f32 v1, v0;
	_ =	sdelay $0x1  }
0xa7: {  	[tilespmem:s2+$0x130] =	vst v0  }
0xa8: {  	v0 =	vld [tilespmem:s11+$0x180]  }
0xa9: {  	v1 =	vld [tilespmem:s16+$0x180]  }
0xaa: {  	s6 =	simm.s32 $0x0;
	s10 =	simm.s32 $0xD000  }
0xab: {  	s18 =	simm.s32 $0x400;
	s14 =	simm.s32 $0x19400;
	s0 =	sshll.u32 s31, $0x1  }
.LBB2_3:
0xac: {  	s6 =	sadd.s32 $0x8, s6;
	s11 =	sadd.s32 $0x400, s11;
	s16 =	sadd.s32 $0x400, s16  }
0xad: {  	p1 =	slt.u32 s6, $0xC0  }
0xae: {  	v0 =	vadd.f32 v1, v0;
	_ =	sdelay $0x1  }
0xaf: {  	[tilespmem:s2+$0x180] =	vst v0  }
0xb0: {  	v0 =	vld [tilespmem:s18+$0x190]  }
0xb1: {  	v1 =	vld [tilespmem:s14+$0x190];
	_ =	sdelay $0x4  }
0xb2: {  	v0 =	vadd.f32 v1, v0;
	_ =	sdelay $0x1  }
0xb3: {  	[tilespmem:s2+$0x190] =	vst v0  }
0xb4: {  	v0 =	vld [tilespmem:s18+$0x1A0]  }
0xb5: {  	v1 =	vld [tilespmem:s14+$0x1A0];
	_ =	sdelay $0x4  }
0xb6: {  	v0 =	vadd.f32 v1, v0;
	_ =	sdelay $0x1  }
0xb7: {  	[tilespmem:s2+$0x1A0] =	vst v0  }
0xb8: {  	v0 =	vld [tilespmem:s18+$0x1B0];
	s18 =	smov.u32 s11  }
0xb9: {  	v1 =	vld [tilespmem:s14+$0x1B0];
	s14 =	smov.u32 s16;
	_ =	sdelay $0x4  }
0xba: {  	v0 =	vadd.f32 v1, v0;
	_ =	sdelay $0x1  }
0xbb: {  	[tilespmem:s2+$0x1B0] =	vst v0;
	s2 =	smov.u32 s10  }
0xbc: {  	v0 =	vld [tilespmem:s11+$0xFFFFFE00]  }
0xbd: {  	v1 =	vld [tilespmem:s16+$0xFFFFFE00];
	_ =	sdelay $0x4  }
0xbe: {  	v0 =	vadd.f32 v1, v0;
	_ =	sdelay $0x1  }
0xbf: {  	[tilespmem:s10+$0xFFFFFE00] =	vst v0  }
0xc0: {  	v0 =	vld [tilespmem:s16+$0xFFFFFE10]  }
0xc1: {  	v1 =	vld [tilespmem:s11+$0xFFFFFE10];
	_ =	sdelay $0x4  }
0xc2: {  	v0 =	vadd.f32 v0, v1;
	_ =	sdelay $0x1  }
0xc3: {  	[tilespmem:s10+$0xFFFFFE10] =	vst v0  }
0xc4: {  	v0 =	vld [tilespmem:s11+$0xFFFFFE20]  }
0xc5: {  	v1 =	vld [tilespmem:s16+$0xFFFFFE20];
	_ =	sdelay $0x4  }
0xc6: {  	v0 =	vadd.f32 v1, v0;
	_ =	sdelay $0x1  }
0xc7: {  	[tilespmem:s10+$0xFFFFFE20] =	vst v0  }
0xc8: {  	v0 =	vld [tilespmem:s11+$0xFFFFFE30]  }
0xc9: {  	v1 =	vld [tilespmem:s16+$0xFFFFFE30];
	_ =	sdelay $0x4  }
0xca: {  	v0 =	vadd.f32 v1, v0;
	_ =	sdelay $0x1  }
0xcb: {  	[tilespmem:s10+$0xFFFFFE30] =	vst v0  }
0xcc: {  	v0 =	vld [tilespmem:s11+$0xFFFFFE80]  }
0xcd: {  	v1 =	vld [tilespmem:s16+$0xFFFFFE80];
	_ =	sdelay $0x4  }
0xce: {  	v0 =	vadd.f32 v1, v0;
	_ =	sdelay $0x1  }
0xcf: {  	[tilespmem:s10+$0xFFFFFE80] =	vst v0  }
0xd0: {  	v0 =	vld [tilespmem:s11+$0xFFFFFE90]  }
0xd1: {  	v1 =	vld [tilespmem:s16+$0xFFFFFE90];
	_ =	sdelay $0x4  }
0xd2: {  	v0 =	vadd.f32 v1, v0;
	_ =	sdelay $0x1  }
0xd3: {  	[tilespmem:s10+$0xFFFFFE90] =	vst v0  }
0xd4: {  	v0 =	vld [tilespmem:s11+$0xFFFFFEA0]  }
0xd5: {  	v1 =	vld [tilespmem:s16+$0xFFFFFEA0];
	_ =	sdelay $0x4  }
0xd6: {  	v0 =	vadd.f32 v1, v0;
	_ =	sdelay $0x1  }
0xd7: {  	[tilespmem:s10+$0xFFFFFEA0] =	vst v0  }
0xd8: {  	v0 =	vld [tilespmem:s11+$0xFFFFFEB0]  }
0xd9: {  	v1 =	vld [tilespmem:s16+$0xFFFFFEB0];
	_ =	sdelay $0x4  }
0xda: {  	v0 =	vadd.f32 v1, v0;
	_ =	sdelay $0x1  }
0xdb: {  	[tilespmem:s10+$0xFFFFFEB0] =	vst v0  }
0xdc: {  	v0 =	vld [tilespmem:s11+$0xFFFFFF00]  }
0xdd: {  	v1 =	vld [tilespmem:s16+$0xFFFFFF00];
	_ =	sdelay $0x4  }
0xde: {  	v0 =	vadd.f32 v1, v0;
	_ =	sdelay $0x1  }
0xdf: {  	[tilespmem:s10+$0xFFFFFF00] =	vst v0  }
0xe0: {  	v0 =	vld [tilespmem:s11+$0xFFFFFF10]  }
0xe1: {  	v1 =	vld [tilespmem:s16+$0xFFFFFF10];
	_ =	sdelay $0x4  }
0xe2: {  	v0 =	vadd.f32 v1, v0;
	_ =	sdelay $0x1  }
0xe3: {  	[tilespmem:s10+$0xFFFFFF10] =	vst v0  }
0xe4: {  	v0 =	vld [tilespmem:s11+$0xFFFFFF20]  }
0xe5: {  	v1 =	vld [tilespmem:s16+$0xFFFFFF20];
	_ =	sdelay $0x4  }
0xe6: {  	v0 =	vadd.f32 v1, v0;
	_ =	sdelay $0x1  }
0xe7: {  	[tilespmem:s10+$0xFFFFFF20] =	vst v0  }
0xe8: {  	v0 =	vld [tilespmem:s11+$0xFFFFFF30]  }
0xe9: {  	v1 =	vld [tilespmem:s16+$0xFFFFFF30];
	_ =	sdelay $0x4  }
0xea: {  	v0 =	vadd.f32 v1, v0;
	_ =	sdelay $0x1  }
0xeb: {  	[tilespmem:s10+$0xFFFFFF30] =	vst v0  }
0xec: {  	v0 =	vld [tilespmem:s11+$0xFFFFFF80]  }
0xed: {  	v1 =	vld [tilespmem:s16+$0xFFFFFF80];
	_ =	sdelay $0x4  }
0xee: {  	v0 =	vadd.f32 v1, v0;
	_ =	sdelay $0x1  }
0xef: {  	[tilespmem:s10+$0xFFFFFF80] =	vst v0  }
0xf0: {  	v0 =	vld [tilespmem:s11+$0xFFFFFF90]  }
0xf1: {  	v1 =	vld [tilespmem:s16+$0xFFFFFF90];
	_ =	sdelay $0x4  }
0xf2: {  	v0 =	vadd.f32 v1, v0;
	_ =	sdelay $0x1  }
0xf3: {  	[tilespmem:s10+$0xFFFFFF90] =	vst v0  }
0xf4: {  	v0 =	vld [tilespmem:s11+$0xFFFFFFA0]  }
0xf5: {  	v1 =	vld [tilespmem:s16+$0xFFFFFFA0];
	_ =	sdelay $0x4  }
0xf6: {  	v0 =	vadd.f32 v1, v0;
	_ =	sdelay $0x1  }
0xf7: {  	[tilespmem:s10+$0xFFFFFFA0] =	vst v0  }
0xf8: {  	v0 =	vld [tilespmem:s11+$0xFFFFFFB0]  }
0xf9: {  	v1 =	vld [tilespmem:s16+$0xFFFFFFB0];
	_ =	sdelay $0x4  }
0xfa: {  	v0 =	vadd.f32 v1, v0;
	_ =	sdelay $0x1  }
0xfb: {  	[tilespmem:s10+$0xFFFFFFB0] =	vst v0  }
0xfc: {  	v0 =	vld [tilespmem:s11+$0x0]  }
0xfd: {  	v1 =	vld [tilespmem:s16+$0x0];
	_ =	sdelay $0x4  }
0xfe: {  	v0 =	vadd.f32 v1, v0;
	_ =	sdelay $0x1  }
0xff: {  	[tilespmem:s10+$0x0] =	vst v0  }
0x100: {  	v0 =	vld [tilespmem:s11+$0x10]  }
0x101: {  	v1 =	vld [tilespmem:s16+$0x10];
	_ =	sdelay $0x4  }
0x102: {  	v0 =	vadd.f32 v1, v0;
	_ =	sdelay $0x1  }
0x103: {  	[tilespmem:s10+$0x10] =	vst v0  }
0x104: {  	v0 =	vld [tilespmem:s11+$0x20]  }
0x105: {  	v1 =	vld [tilespmem:s16+$0x20];
	_ =	sdelay $0x4  }
0x106: {  	v0 =	vadd.f32 v1, v0;
	_ =	sdelay $0x1  }
0x107: {  	[tilespmem:s10+$0x20] =	vst v0  }
0x108: {  	v0 =	vld [tilespmem:s11+$0x30]  }
0x109: {  	v1 =	vld [tilespmem:s16+$0x30];
	_ =	sdelay $0x4  }
0x10a: {  	v0 =	vadd.f32 v1, v0;
	_ =	sdelay $0x1  }
0x10b: {  	[tilespmem:s10+$0x30] =	vst v0  }
0x10c: {  	v0 =	vld [tilespmem:s11+$0x80]  }
0x10d: {  	v1 =	vld [tilespmem:s16+$0x80];
	_ =	sdelay $0x4  }
0x10e: {  	v0 =	vadd.f32 v1, v0;
	_ =	sdelay $0x1  }
0x10f: {  	[tilespmem:s10+$0x80] =	vst v0  }
0x110: {  	v0 =	vld [tilespmem:s11+$0x90]  }
0x111: {  	v1 =	vld [tilespmem:s16+$0x90];
	_ =	sdelay $0x4  }
0x112: {  	v0 =	vadd.f32 v1, v0;
	_ =	sdelay $0x1  }
0x113: {  	[tilespmem:s10+$0x90] =	vst v0  }
0x114: {  	v0 =	vld [tilespmem:s11+$0xA0]  }
0x115: {  	v1 =	vld [tilespmem:s16+$0xA0];
	_ =	sdelay $0x4  }
0x116: {  	v0 =	vadd.f32 v1, v0;
	_ =	sdelay $0x1  }
0x117: {  	[tilespmem:s10+$0xA0] =	vst v0  }
0x118: {  	v0 =	vld [tilespmem:s11+$0xB0]  }
0x119: {  	v1 =	vld [tilespmem:s16+$0xB0];
	_ =	sdelay $0x4  }
0x11a: {  	v0 =	vadd.f32 v1, v0;
	_ =	sdelay $0x1  }
0x11b: {  	[tilespmem:s10+$0xB0] =	vst v0  }
0x11c: {  	v0 =	vld [tilespmem:s11+$0x100]  }
0x11d: {  	v1 =	vld [tilespmem:s16+$0x100];
	_ =	sdelay $0x4  }
0x11e: {  	v0 =	vadd.f32 v1, v0;
	_ =	sdelay $0x1  }
0x11f: {  	[tilespmem:s10+$0x100] =	vst v0  }
0x120: {  	v0 =	vld [tilespmem:s11+$0x110]  }
0x121: {  	v1 =	vld [tilespmem:s16+$0x110];
	_ =	sdelay $0x4  }
0x122: {  	v0 =	vadd.f32 v1, v0;
	_ =	sdelay $0x1  }
0x123: {  	[tilespmem:s10+$0x110] =	vst v0  }
0x124: {  	v0 =	vld [tilespmem:s11+$0x120]  }
0x125: {  	v1 =	vld [tilespmem:s16+$0x120];
	_ =	sdelay $0x4  }
0x126: {  	v0 =	vadd.f32 v1, v0;
	_ =	sdelay $0x1  }
0x127: {  	[tilespmem:s10+$0x120] =	vst v0  }
0x128: {  	v0 =	vld [tilespmem:s11+$0x130]  }
0x129: {  	v1 =	vld [tilespmem:s16+$0x130];
	_ =	sdelay $0x4  }
0x12a: {  	v0 =	vadd.f32 v1, v0;
	_ =	sdelay $0x1  }
.Ltmp2:
0x12b: {  	[tilespmem:s10+$0x130] =	vst v0;
	(pc) =	sbr.rel @p1 .LBB2_3-.Ltmp2, $3  }
0x12c: {  	v0 =	vld [tilespmem:s11+$0x180]  }
0x12d: {  	v1 =	vld [tilespmem:s16+$0x180];
	_ =	sdelay $0x1  }
0x12e: {  	s10 =	sadd.s32 $0x400, s10  }
0x12f: {  	_ =	sdelay $0x1  }
0x130: {  	v0 =	vadd.f32 v1, v0;
	_ =	sdelay $0x1  }
0x131: {  	[tilespmem:s2+$0x180] =	vst v0  }
0x132: {  	v0 =	vld [tilespmem:s18+$0x190]  }
0x133: {  	v1 =	vld [tilespmem:s14+$0x190];
	_ =	sdelay $0x4  }
0x134: {  	v0 =	vadd.f32 v1, v0;
	_ =	sdelay $0x1  }
0x135: {  	[tilespmem:s2+$0x190] =	vst v0  }
0x136: {  	v0 =	vld [tilespmem:s18+$0x1A0]  }
0x137: {  	v1 =	vld [tilespmem:s14+$0x1A0];
	_ =	sdelay $0x4  }
0x138: {  	v0 =	vadd.f32 v1, v0;
	_ =	sdelay $0x1  }
0x139: {  	[tilespmem:s2+$0x1A0] =	vst v0  }
0x13a: {  	v0 =	vld [tilespmem:s18+$0x1B0]  }
0x13b: {  	v1 =	vld [tilespmem:s14+$0x1B0];
	_ =	sdelay $0x3  }
0x13c: {  	s6 =	sadd.s32 s5, s0  }
0x13d: {  	s6 =	smul.u32 $0xC80, s6;
	v0 =	vadd.f32 v1, v0  }
0x13e: {  	p1 =	seq.s32 s31, $0x3F  }
0x13f: {  	s18 =	sadd.s32 s7, s6;
	[tilespmem:s2+$0x1B0] =	vst v0;
	s2 =	sadd.s32 @!p1 $0x2, s0  }
0x140: {  	[hbm4b:s18+s3] =	stream.linear.scatter [tilespmem:s24], [sflag:$0x3], $0x6400, $0x38;
	[tilespmem:$0x1F600] =	vst v63  }
0x141: {  	s6 =	sadd.s32 @!p1 s5, s2;
	s2 =	sshll.u32 @!p1 s2, $0x4  }
0x142: {  	s6 =	sshll.u32 @!p1 s6, $0x5;
	s2 =	sand.u32 @!p1 $0x60, s2  }
0x143: {  	s6 =	sand.u32 @!p1 $0x3FF00, s6;
	s2 =	sadd.s32 @!p1 s1, s2  }
0x144: {  	s2 =	sadd.s32 @!p1 s6, s2;
	s6 =	simm.s32 @!p1 $0x0  }
0x145: {  	[tilespmem:s6], [sflag:$0x5] =	stream.linear.gather @!p1 [hbm4b:s2+s6], $0x80, $0x38;
	[tilespmem:$0x1F600] =	vst v63  }
0x146: {  	s10 =	simm.s32 @!p1 $0x100;
	s2 =	sadd.s32 @!p1 $0x80, s2  }
0x147: {  	[tilespmem:s10], [sflag:$0x5] =	stream.linear.gather @!p1 [hbm4b:s2+s6], $0x80, $0x38;
	[tilespmem:$0x1F600] =	vst v63  }
0x148: {  	s2 =	simm.s32 @!p1 $0x5  }
0x149: {  	_ =	swait.ge @!p1 [sflag:s2], $0x100  }
0x14a: {  	[sflag:s2] =	ssyncset.done @!p1 $0x0  }
0x14b: {  	s11 =	simm.s32 @!p1 $0x200;
	[sflag:s2] =	ssyncadd.s32 @!p1 $0xFFFFFF00;
	s2 =	simm.s32 @!p1 $0x80  }
0x14c: {  	[tilespmem:s11], [sflag:$0x1] =	stream.indirect.gather @!p1 [hbm4b:s4+s2], $0x80, s6, s2, $0xb8;
	[tilespmem:$0x1F600] =	vst v63  }
0x14d: {  	s2 =	simm.s32 @!p1 $0x48;
	s6 =	simm.s32 @!p1 $0x4200  }
0x14e: {  	[tilespmem:s6], [sflag:$0x1] =	stream.indirect.gather @!p1 [hbm4b:s4+s2], $0x80, s10, s2, $0xb8;
	[tilespmem:$0x1F600] =	vst v63  }
0x14f: {  	_ =	swait.ge [sflag:s25], $0x6400  }
0x150: {  	[sflag:s25] =	ssyncset.done $0x0  }
0x151: {  	s2 =	simm.s32 @!p0 $0x4;
	[sflag:s25] =	ssyncadd.s32 $0xFFFF9C00  }
0x152: {  	_ =	swait.ge @!p0 [sflag:s2], $0x6400  }
0x153: {  	[sflag:s2] =	ssyncset.done @!p0 $0x0  }
0x154: {  	[sflag:s2] =	ssyncadd.s32 @!p0 $0xFFFF9C00;
	s2 =	simm.s32 $0x0  }
0x155: {  	v0 =	vld [tilespmem:s2+$0x69B0]  }
0x156: {  	v1 =	vld [tilespmem:s2+$0x195B0]  }
0x157: {  	v2 =	vld [tilespmem:s2+$0x6600]  }
0x158: {  	v3 =	vld [tilespmem:s2+$0x19200]  }
0x159: {  	v4 =	vld [tilespmem:s2+$0x6610]  }
0x15a: {  	v5 =	vld [tilespmem:s2+$0x19210]  }
0x15b: {  	v6 =	vld [tilespmem:s2+$0x6620]  }
0x15c: {  	v7 =	vld [tilespmem:s2+$0x6630]  }
0x15d: {  	v0 =	vadd.f32 v1, v0;
	v1 =	vld [tilespmem:s2+$0x19220]  }
0x15e: {  	v2 =	vadd.f32 v3, v2;
	v3 =	vld [tilespmem:s2+$0x6680]  }
0x15f: {  	[tilespmem:s2+$0x131B0] =	vst v0;
	v0 =	vld [tilespmem:s2+$0x19230]  }
0x160: {  	[tilespmem:s2+$0x12E00] =	vst v2;
	v2 =	vadd.f32 v5, v4;
	v4 =	vld [tilespmem:s2+$0x19280]  }
0x161: {  	v5 =	vld [tilespmem:s2+$0x19290]  }
0x162: {  	[tilespmem:s2+$0x12E10] =	vst v2;
	v2 =	vld [tilespmem:s2+$0x6690];
	v1 =	vadd.f32 v1, v6  }
0x163: {  	v6 =	vld [tilespmem:s2+$0x192A0]  }
0x164: {  	[tilespmem:s2+$0x12E20] =	vst v1;
	v0 =	vadd.f32 v0, v7;
	v1 =	vld [tilespmem:s2+$0x66A0]  }
0x165: {  	v7 =	vld [tilespmem:s2+$0x19520]  }
0x166: {  	[tilespmem:s2+$0x12E30] =	vst v0;
	v0 =	vadd.f32 v4, v3;
	v3 =	vld [tilespmem:s2+$0x66B0]  }
0x167: {  	v4 =	vld [tilespmem:s2+$0x192B0]  }
0x168: {  	[tilespmem:s2+$0x12E80] =	vst v0;
	v0 =	vadd.f32 v5, v2;
	v2 =	vld [tilespmem:s2+$0x6700]  }
0x169: {  	v5 =	vld [tilespmem:s2+$0x19300]  }
0x16a: {  	[tilespmem:s2+$0x12E90] =	vst v0;
	v0 =	vadd.f32 v6, v1;
	v1 =	vld [tilespmem:s2+$0x6710]  }
0x16b: {  	v6 =	vld [tilespmem:s2+$0x19310]  }
0x16c: {  	[tilespmem:s2+$0x12EA0] =	vst v0;
	v0 =	vadd.f32 v4, v3;
	v3 =	vld [tilespmem:s2+$0x6720]  }
0x16d: {  	v4 =	vld [tilespmem:s2+$0x19320]  }
0x16e: {  	[tilespmem:s2+$0x12EB0] =	vst v0;
	v0 =	vadd.f32 v5, v2;
	v2 =	vld [tilespmem:s2+$0x6730]  }
0x16f: {  	v5 =	vld [tilespmem:s2+$0x19330]  }
0x170: {  	[tilespmem:s2+$0x12F00] =	vst v0;
	v0 =	vadd.f32 v6, v1;
	v1 =	vld [tilespmem:s2+$0x6780]  }
0x171: {  	v6 =	vld [tilespmem:s2+$0x19380]  }
0x172: {  	[tilespmem:s2+$0x12F10] =	vst v0;
	v0 =	vadd.f32 v4, v3;
	v3 =	vld [tilespmem:s2+$0x6790]  }
0x173: {  	v4 =	vld [tilespmem:s2+$0x19390]  }
0x174: {  	[tilespmem:s2+$0x12F20] =	vst v0;
	v0 =	vadd.f32 v5, v2;
	v2 =	vld [tilespmem:s2+$0x67A0]  }
0x175: {  	v5 =	vld [tilespmem:s2+$0x193A0]  }
0x176: {  	[tilespmem:s2+$0x12F30] =	vst v0;
	v0 =	vadd.f32 v6, v1;
	v1 =	vld [tilespmem:s2+$0x67B0]  }
0x177: {  	v6 =	vld [tilespmem:s2+$0x193B0]  }
0x178: {  	[tilespmem:s2+$0x12F80] =	vst v0;
	v0 =	vadd.f32 v4, v3;
	v3 =	vld [tilespmem:s2+$0x6800]  }
0x179: {  	v4 =	vld [tilespmem:s2+$0x19400]  }
0x17a: {  	[tilespmem:s2+$0x12F90] =	vst v0;
	v0 =	vadd.f32 v5, v2;
	v2 =	vld [tilespmem:s2+$0x6810]  }
0x17b: {  	v5 =	vld [tilespmem:s2+$0x19410]  }
0x17c: {  	[tilespmem:s2+$0x12FA0] =	vst v0;
	v0 =	vadd.f32 v6, v1;
	v1 =	vld [tilespmem:s2+$0x6820]  }
0x17d: {  	v6 =	vld [tilespmem:s2+$0x19420]  }
0x17e: {  	[tilespmem:s2+$0x12FB0] =	vst v0;
	v0 =	vadd.f32 v4, v3;
	v3 =	vld [tilespmem:s2+$0x6830]  }
0x17f: {  	v4 =	vld [tilespmem:s2+$0x19430]  }
0x180: {  	[tilespmem:s2+$0x13000] =	vst v0;
	v0 =	vadd.f32 v5, v2;
	v2 =	vld [tilespmem:s2+$0x6880]  }
0x181: {  	v5 =	vld [tilespmem:s2+$0x19480]  }
0x182: {  	[tilespmem:s2+$0x13010] =	vst v0;
	v0 =	vadd.f32 v6, v1;
	v1 =	vld [tilespmem:s2+$0x6890]  }
0x183: {  	v6 =	vld [tilespmem:s2+$0x19490]  }
0x184: {  	[tilespmem:s2+$0x13020] =	vst v0;
	v0 =	vadd.f32 v4, v3;
	v3 =	vld [tilespmem:s2+$0x68A0]  }
0x185: {  	v4 =	vld [tilespmem:s2+$0x194A0]  }
0x186: {  	[tilespmem:s2+$0x13030] =	vst v0;
	v0 =	vadd.f32 v5, v2;
	v2 =	vld [tilespmem:s2+$0x68B0]  }
0x187: {  	v5 =	vld [tilespmem:s2+$0x194B0]  }
0x188: {  	[tilespmem:s2+$0x13080] =	vst v0;
	v0 =	vadd.f32 v6, v1;
	v1 =	vld [tilespmem:s2+$0x6900]  }
0x189: {  	v6 =	vld [tilespmem:s2+$0x19500]  }
0x18a: {  	[tilespmem:s2+$0x13090] =	vst v0;
	v0 =	vadd.f32 v4, v3;
	v3 =	vld [tilespmem:s2+$0x6910]  }
0x18b: {  	v4 =	vld [tilespmem:s2+$0x19510]  }
0x18c: {  	[tilespmem:s2+$0x130A0] =	vst v0;
	v0 =	vadd.f32 v5, v2;
	v5 =	vld [tilespmem:s2+$0x6920]  }
0x18d: {  	v8 =	vld [tilespmem:s2+$0x19530]  }
0x18e: {  	[tilespmem:s2+$0x130B0] =	vst v0;
	v0 =	vadd.f32 v6, v1;
	v6 =	vld [tilespmem:s2+$0x6930]  }
0x18f: {  	v2 =	vld [tilespmem:s2+$0x19580]  }
0x190: {  	v1 =	vadd.f32 v4, v3;
	[tilespmem:s2+$0x13100] =	vst v0;
	v0 =	vld [tilespmem:s2+$0x6980]  }
0x191: {  	v3 =	vld [tilespmem:s2+$0x19590];
	v4 =	vadd.f32 v7, v5  }
0x192: {  	[tilespmem:s2+$0x13110] =	vst v1;
	v1 =	vld [tilespmem:s2+$0x6990]  }
0x193: {  	s11 =	simm.s32 $0x1000;
	s6 =	sor.u32 $0x1, s0;
	s10 =	simm.s32 $0x0;
	[tilespmem:s2+$0x13120] =	vst v4;
	v5 =	vadd.f32 v8, v6;
	v4 =	vld [tilespmem:s2+$0x69A0]  }
.LBB2_5:
0x194: {  	s14 =	sshra.s32 s11, $0x2;
	v6 =	vld [tilespmem:s2+$0x195A0]  }
0x195: {  	s10 =	sadd.s32 $0x8, s10;
	v7 =	vld [tilespmem:s14+$0x69B0];
	[tilespmem:s2+$0x13130] =	vst v5;
	v0 =	vadd.f32 v2, v0  }
0x196: {  	p0 =	slt.u32 s10, $0xC0;
	v2 =	vld [tilespmem:s14+$0x195B0]  }
0x197: {  	v5 =	vld [tilespmem:s14+$0x6600];
	[tilespmem:s2+$0x13180] =	vst v0;
	v0 =	vadd.f32 v3, v1  }
0x198: {  	v1 =	vld [tilespmem:s14+$0x19200]  }
0x199: {  	v3 =	vld [tilespmem:s14+$0x6610];
	[tilespmem:s2+$0x13190] =	vst v0;
	v0 =	vadd.f32 v6, v4  }
0x19a: {  	v4 =	vld [tilespmem:s14+$0x19210]  }
0x19b: {  	v6 =	vld [tilespmem:s14+$0x6620];
	v2 =	vadd.f32 v2, v7;
	[tilespmem:s2+$0x131A0] =	vst v0;
	s2 =	smov.u32 s14  }
0x19c: {  	v0 =	vld [tilespmem:s2+$0x19220]  }
0x19d: {  	v1 =	vadd.f32 v1, v5;
	v5 =	vld [tilespmem:s2+$0x6630];
	[tilespmem:s2+$0x131B0] =	vst v2  }
0x19e: {  	v2 =	vld [tilespmem:s2+$0x19230]  }
0x19f: {  	[tilespmem:s2+$0x12E00] =	vst v1;
	v1 =	vadd.f32 v4, v3;
	v3 =	vld [tilespmem:s2+$0x6680]  }
0x1a0: {  	v4 =	vld [tilespmem:s2+$0x19280]  }
0x1a1: {  	[tilespmem:s2+$0x12E10] =	vst v1;
	v0 =	vadd.f32 v0, v6;
	v1 =	vld [tilespmem:s2+$0x6690]  }
0x1a2: {  	v6 =	vld [tilespmem:s2+$0x19290]  }
0x1a3: {  	[tilespmem:s2+$0x12E20] =	vst v0;
	v0 =	vadd.f32 v2, v5;
	v2 =	vld [tilespmem:s2+$0x66A0]  }
0x1a4: {  	v5 =	vld [tilespmem:s2+$0x192A0]  }
0x1a5: {  	[tilespmem:s2+$0x12E30] =	vst v0;
	v0 =	vadd.f32 v4, v3;
	v3 =	vld [tilespmem:s2+$0x66B0]  }
0x1a6: {  	v4 =	vld [tilespmem:s2+$0x192B0]  }
0x1a7: {  	[tilespmem:s2+$0x12E80] =	vst v0;
	v0 =	vadd.f32 v6, v1;
	v1 =	vld [tilespmem:s2+$0x6700]  }
0x1a8: {  	v6 =	vld [tilespmem:s2+$0x19300]  }
0x1a9: {  	[tilespmem:s2+$0x12E90] =	vst v0;
	v0 =	vadd.f32 v5, v2;
	v2 =	vld [tilespmem:s2+$0x6710]  }
0x1aa: {  	v5 =	vld [tilespmem:s2+$0x19310]  }
0x1ab: {  	[tilespmem:s2+$0x12EA0] =	vst v0;
	v0 =	vadd.f32 v4, v3;
	v3 =	vld [tilespmem:s2+$0x6720]  }
0x1ac: {  	v4 =	vld [tilespmem:s2+$0x19320]  }
0x1ad: {  	[tilespmem:s2+$0x12EB0] =	vst v0;
	v0 =	vadd.f32 v6, v1;
	v1 =	vld [tilespmem:s2+$0x6730]  }
0x1ae: {  	v6 =	vld [tilespmem:s2+$0x19330]  }
0x1af: {  	[tilespmem:s2+$0x12F00] =	vst v0;
	v0 =	vadd.f32 v5, v2;
	v2 =	vld [tilespmem:s2+$0x6780]  }
0x1b0: {  	v5 =	vld [tilespmem:s2+$0x19380]  }
0x1b1: {  	[tilespmem:s2+$0x12F10] =	vst v0;
	v0 =	vadd.f32 v4, v3;
	v3 =	vld [tilespmem:s2+$0x6790]  }
0x1b2: {  	v4 =	vld [tilespmem:s2+$0x19390]  }
0x1b3: {  	[tilespmem:s2+$0x12F20] =	vst v0;
	v0 =	vadd.f32 v6, v1;
	v1 =	vld [tilespmem:s2+$0x67A0]  }
0x1b4: {  	v6 =	vld [tilespmem:s2+$0x193A0]  }
0x1b5: {  	[tilespmem:s2+$0x12F30] =	vst v0;
	v0 =	vadd.f32 v5, v2;
	v2 =	vld [tilespmem:s2+$0x67B0]  }
0x1b6: {  	v5 =	vld [tilespmem:s2+$0x193B0]  }
0x1b7: {  	[tilespmem:s2+$0x12F80] =	vst v0;
	v0 =	vadd.f32 v4, v3;
	v3 =	vld [tilespmem:s2+$0x6800]  }
0x1b8: {  	v4 =	vld [tilespmem:s2+$0x19400]  }
0x1b9: {  	[tilespmem:s2+$0x12F90] =	vst v0;
	v0 =	vadd.f32 v6, v1;
	v1 =	vld [tilespmem:s2+$0x6810]  }
0x1ba: {  	v6 =	vld [tilespmem:s2+$0x19410]  }
0x1bb: {  	[tilespmem:s2+$0x12FA0] =	vst v0;
	v0 =	vadd.f32 v5, v2;
	v2 =	vld [tilespmem:s2+$0x6820]  }
0x1bc: {  	v5 =	vld [tilespmem:s2+$0x19420]  }
0x1bd: {  	[tilespmem:s2+$0x12FB0] =	vst v0;
	v0 =	vadd.f32 v4, v3;
	v3 =	vld [tilespmem:s2+$0x6830]  }
0x1be: {  	v4 =	vld [tilespmem:s2+$0x19430]  }
0x1bf: {  	[tilespmem:s2+$0x13000] =	vst v0;
	v0 =	vadd.f32 v6, v1;
	v1 =	vld [tilespmem:s2+$0x6880]  }
0x1c0: {  	v6 =	vld [tilespmem:s2+$0x19480]  }
0x1c1: {  	[tilespmem:s2+$0x13010] =	vst v0;
	v0 =	vadd.f32 v5, v2;
	v2 =	vld [tilespmem:s2+$0x6890]  }
0x1c2: {  	v5 =	vld [tilespmem:s2+$0x19490]  }
0x1c3: {  	[tilespmem:s2+$0x13020] =	vst v0;
	v0 =	vadd.f32 v4, v3;
	v3 =	vld [tilespmem:s2+$0x68A0]  }
0x1c4: {  	v4 =	vld [tilespmem:s2+$0x194A0]  }
0x1c5: {  	[tilespmem:s2+$0x13030] =	vst v0;
	v0 =	vadd.f32 v6, v1;
	v1 =	vld [tilespmem:s2+$0x68B0]  }
0x1c6: {  	v6 =	vld [tilespmem:s2+$0x194B0]  }
0x1c7: {  	[tilespmem:s2+$0x13080] =	vst v0;
	v0 =	vadd.f32 v5, v2;
	v2 =	vld [tilespmem:s2+$0x6900]  }
0x1c8: {  	v5 =	vld [tilespmem:s2+$0x19500]  }
0x1c9: {  	[tilespmem:s2+$0x13090] =	vst v0;
	v0 =	vadd.f32 v4, v3;
	v3 =	vld [tilespmem:s2+$0x6910]  }
0x1ca: {  	v4 =	vld [tilespmem:s2+$0x19510]  }
0x1cb: {  	[tilespmem:s2+$0x130A0] =	vst v0;
	v0 =	vadd.f32 v6, v1;
	v1 =	vld [tilespmem:s2+$0x6920]  }
0x1cc: {  	v6 =	vld [tilespmem:s2+$0x19520]  }
0x1cd: {  	[tilespmem:s2+$0x130B0] =	vst v0;
	v0 =	vadd.f32 v5, v2;
	v5 =	vld [tilespmem:s2+$0x6930]  }
0x1ce: {  	v7 =	vld [tilespmem:s2+$0x19530]  }
.Ltmp3:
0x1cf: {  	[tilespmem:s2+$0x13100] =	vst v0;
	v3 =	vadd.f32 v4, v3;
	v0 =	vld [tilespmem:s2+$0x6980];
	(pc) =	sbr.rel @p0 .LBB2_5-.Ltmp3, $4  }
0x1d0: {  	v2 =	vld [tilespmem:s2+$0x19580]  }
0x1d1: {  	[tilespmem:s2+$0x13110] =	vst v3;
	v4 =	vadd.f32 v6, v1;
	v1 =	vld [tilespmem:s2+$0x6990]  }
0x1d2: {  	v3 =	vld [tilespmem:s2+$0x19590]  }
0x1d3: {  	s11 =	sadd.s32 $0x1000, s11;
	[tilespmem:s2+$0x13120] =	vst v4;
	v5 =	vadd.f32 v7, v5;
	v4 =	vld [tilespmem:s2+$0x69A0]  }
0x1d4: {  	v6 =	vld [tilespmem:s2+$0x195A0];
	_ =	sdelay $0x2  }
0x1d5: {  	v0 =	vadd.f32 v2, v0  }
.Ltmp4:
0x1d6: {  	s6 =	sadd.s32 s5, s6;
	[tilespmem:s2+$0x13130] =	vst v5;
	v1 =	vadd.f32 v3, v1;
	(pc) =	sbr.rel @p1 .LBB2_8-.Ltmp4, $4  }
0x1d7: {  	s6 =	smul.u32 $0xC80, s6;
	[tilespmem:s2+$0x13180] =	vst v0;
	v63 =	vadd.f32 v6, v4  }
0x1d8: {  	[tilespmem:s2+$0x13190] =	vst v1  }
0x1d9: {  	s18 =	sadd.s32 s7, s6;
	[tilespmem:s2+$0x131A0] =	vst v63  }
0x1da: {  	[hbm4b:s18+s3] =	stream.linear.scatter [tilespmem:s26], [sflag:$0x4], $0x6400, $0x38;
	[tilespmem:$0x1F600] =	vst v63  }
0x1db: {  	s0 =	sadd.s32 $0x3, s0  }
0x1dc: {  	s2 =	sadd.s32 s5, s0;
	s0 =	sshll.u32 s0, $0x4  }
0x1dd: {  	s2 =	sshll.u32 s2, $0x5;
	s0 =	sand.u32 $0x70, s0  }
0x1de: {  	s2 =	sand.u32 $0x3FF00, s2;
	s0 =	sadd.s32 s1, s0  }
0x1df: {  	s0 =	sadd.s32 s2, s0  }
0x1e0: {  	[tilespmem:s15], [sflag:$0x5] =	stream.linear.gather [hbm4b:s0+s3], $0x80, $0x38;
	[tilespmem:$0x1F600] =	vst v63  }
0x1e1: {  	s0 =	sadd.s32 $0x80, s0  }
0x1e2: {  	[tilespmem:s20], [sflag:$0x5] =	stream.linear.gather [hbm4b:s0+s3], $0x80, $0x38;
	[tilespmem:$0x1F600] =	vst v63  }
0x1e3: {  	_ =	swait.ge [sflag:s12], $0x100  }
.Ltmp5:
0x1e4: {  	[sflag:s12] =	ssyncset.done $0x0;
	(pc) =	sbr.rel .LBB2_2-.Ltmp5, $4  }
0x1e5: {  	[sflag:s12] =	ssyncadd.s32 $0xFFFFFF00  }
0x1e6: {  	[tilespmem:s21], [sflag:$0x2] =	stream.indirect.gather [hbm4b:s4+s15], $0x80, s15, s15, $0xb8;
	[tilespmem:$0x1F600] =	vst v63  }
0x1e7: {  	s31 =	sadd.s32 $0x1, s31  }
0x1e8: {  	[tilespmem:s22], [sflag:$0x2] =	stream.indirect.gather [hbm4b:s4+s17], $0x80, s20, s17, $0xb8;
	[tilespmem:$0x1F600] =	vst v63  }
.LBB2_9:
0x1e9: {  	_ =	sfence.sel $0x180000  }
0x1ea: {  	[bflag:$0x0] =	sbarrier.arrive $0xFFFF  }
0x1eb: {  	_ =	strace $0x90000047  }
0x1ec: {  	s0 =	stileid.u32;
	[bflag:$0x2] =	sbarrier.arrive $0xFFFF  }
0x1ed: {  	p0 =	sne.s32 s0, $0x0;
	s0 =	rddreg [dreg:$0x2]  }
0x1ee: {  	s0 =	sadd.s32 @!p0 $0x100000, s0  }
0x1ef: {  	[sflag:s0] =	ssyncadd.tile.s32 @!p0 $0x1;
	_ =	shalt  }
.Lfunc_end2:
_tile_overlayer_lowered:
.L_overlay_start_2:
0x1f0: {  	(tag) =	ssettag $0x2  }
0x1f1: {  	s0 =	rddreg [dreg:$0x0];
	s2 =	stileid.u32  }
0x1f2: {  	s1 =	rddreg [dreg:$0x1];
	p0 =	sne.s32 s2, $0x0  }
0x1f3: {  	s3 =	rddreg [dreg:$0x2];
	[bflag:$0x3] =	sbarrier.arrive $0xFFFF;
	s2 =	simm.s32 @!p0 $0x1C05  }
0x1f4: {  	[timem:s3], [sflag:s2] =	dma.local @!p0 [hbm:s0], s1  }
0x1f5: {  	s0 =	simm.s32 @!p0 $0x5  }
0x1f6: {  	_ =	swait.ge @!p0 [sflag:s0], s1  }
0x1f7: {  	s1 =	ssub.s32 @!p0 $0x0, s1;
	[sflag:s0] =	ssyncset.done @!p0 $0x0  }
0x1f8: {  	[sflag:s0] =	ssyncadd.s32 @!p0 s1  }
0x1f9: {  	[bflag:$0x3] =	sbarrier.arrive $0xFFFF  }
0x1fa: {  	_ =	shalt  }

</sc_bundles>
